<compile_context>
chip_gen: v7x
topology: tpu7x:2x2x1
jax: 0.10.2.dev20260603
libtpu: 0.0.44.dev20260713+nightly
codegen_flags: <defaults>
</compile_context>

<pallas_src>
import functools

import jax
import jax.numpy as jnp
from jax import lax
from jax.experimental import pallas as pl
from jax.experimental.pallas import tpu as pltpu
from jax.experimental.pallas import tpu_sc as plsc

D = 128
LANES = 16
NUM_CORES = 2
NUM_SUBCORES = 16
NUM_WORKERS = NUM_CORES * NUM_SUBCORES
CHUNK = 80
NBUF = 8
PRE = 6
SLACK = 2
GROUPS = ((0, 80),)


def _sc_body(n_proc, vocab, x_hbm, idx_hbm, tab_hbm, out_hbm, *sc):
  n_tokens = n_proc
  xrow = sc[0:NBUF]
  idx_all = sc[NBUF]
  tab_sh = sc[NBUF + 1]
  sem_idx = sc[NBUF + 2]
  sem_in = sc[NBUF + 3:2 * NBUF + 3]
  sem_g = sc[2 * NBUF + 3]
  sem_out = sc[2 * NBUF + 4:3 * NBUF + 4]

  per_w = n_tokens // NUM_WORKERS
  chunks = per_w // CHUNK
  cid = lax.axis_index("c")
  sid = lax.axis_index("s")
  wid = sid * NUM_CORES + cid
  w0 = wid * per_w

  idx_copy = pltpu.make_async_copy(
      idx_hbm.at[pl.ds(w0, per_w)], idx_all, sem_idx)

  def in_copy(t, b):
    base = w0 + t * CHUNK
    return pltpu.make_async_copy(
        x_hbm.at[pl.ds(base, CHUNK)], xrow[b], sem_in[b])

  def gather_add(t, b):
    cps = [
        pltpu.async_copy(
            tab_sh.at[idx_all.at[pl.ds(t * CHUNK + o, g)]],
            xrow[b].at[pl.ds(o, g)],
            sem_g,
            add=True,
        )
        for (o, g) in GROUPS
    ]
    for cp in cps:
      cp.wait()

  def out_copy(t, b):
    base = w0 + t * CHUNK
    return pltpu.make_async_copy(
        xrow[b], out_hbm.at[pl.ds(base, CHUNK)], sem_out[b])

  idx_copy.start()

  @pl.when(sid == 0)
  def _stage():
    pltpu.sync_copy(tab_hbm, xrow[0].at[pl.ds(0, vocab)])
    for j in range(D // LANES):
      xrow[0][0, pl.ds(j * LANES, LANES)] = jnp.zeros((LANES,), jnp.float32)
    pltpu.sync_copy(xrow[0].at[pl.ds(0, vocab)], tab_sh)

  for t in range(PRE):
    in_copy(t, t % NBUF).start()

  plsc.subcore_barrier()
  idx_copy.wait()

  def outer(tt, carry):
    for b in range(NBUF):
      u = tt * NBUF + b
      bp = (b + PRE) % NBUF
      in_copy(u, b).wait()

      gather_add(u, b)
      out_copy(u, b).start()

      @pl.when(u >= SLACK)
      def _drain():
        out_copy(u - SLACK, bp).wait()

      @pl.when(u + PRE < chunks)
      def _next_in():
        in_copy(u + PRE, bp).start()

    return carry

  lax.fori_loop(0, chunks // NBUF, outer, 0)

  for t in range(chunks - SLACK, chunks):
    out_copy(t, t % NBUF).wait()


@functools.partial(jax.jit, static_argnames=())
def kernel(x, seg_idx, seg_embed):
  b, s, d = x.shape
  n = b * s
  vocab = seg_embed.shape[0]
  xf = x.reshape(n, d)
  idxf = seg_idx.reshape(n).astype(jnp.int32)
  tab = seg_embed.astype(jnp.float32)

  mesh = plsc.VectorSubcoreMesh(
      core_axis_name="c", subcore_axis_name="s",
      num_cores=NUM_CORES, num_subcores=NUM_SUBCORES,
  )
  out = pl.kernel(
      functools.partial(_sc_body, n, vocab),
      out_type=jax.ShapeDtypeStruct((n, d), jnp.float32),
      mesh=mesh,
      scratch_types=(
          [pltpu.VMEM((CHUNK, D), jnp.float32) for _ in range(NBUF)]
          + [
              pltpu.VMEM((n // NUM_WORKERS,), jnp.int32),
              pltpu.VMEM_SHARED((vocab, D), jnp.float32),
          ]
          + [pltpu.SemaphoreType.DMA for _ in range(2 * NBUF + 2)]
      ),
  )(xf, idxf, tab)
  return out.reshape(b, s, d)

# --- scband reference (transcript-rebuilt; emitter-appended) ---
"""Pipeline reference for scband-masks-positional-encoding-62508954026360 (READ-ONLY COPY).

The authoritative reference and input builder live on the scoring server;
editing this copy changes nothing except your own understanding.
"""

import jax, jax.numpy as jnp
import numpy as np

MAX_SEGS = 40
D_MODEL = 128
BATCH = 4096
SEQ = 200


def setup_inputs(seed: int = 0) -> dict:
    key = jax.random.key(seed)
    k1, k2, k3 = jax.random.split(key, 3)
    x = jax.random.normal(k1, (BATCH, SEQ, D_MODEL), dtype=jnp.float32)
    seg_idx = jax.random.randint(k2, (BATCH, SEQ), 0, MAX_SEGS + 1, dtype=jnp.int64 if jax.config.jax_enable_x64 else jnp.int32)
    seg_embed = jax.random.normal(k3, (MAX_SEGS + 1, D_MODEL), dtype=jnp.float32)
    # padding_idx=0: row 0 is zero
    seg_embed = seg_embed.at[0].set(0.0)
    return {"x": x, "seg_idx": seg_idx, "seg_embed": seg_embed}


def reference(x, seg_idx, seg_embed):
    # enforce padding_idx=0 semantics (row 0 contributes zero)
    table = seg_embed.at[0].set(0.0)
    emb = jnp.take(table, seg_idx, axis=0)
    return x + emb

if __name__ == "__main__":
    import jax
    _d = setup_inputs()
    print(jax.jit(kernel)(*tuple(_d.values())))

</pallas_src>

<mosaic_0001>
#map = affine_map<(d0, d1) -> (0, 0)>
#map1 = affine_map<(d0, d1) -> (0)>
module attributes {stable_mosaic.version = 14 : i64} {
  func.func @_sc_body(%arg0: i32, %arg1: i32, %arg2: memref<819200x128xf32, #tpu.memory_space<hbm>>, %arg3: memref<819200xi32, #tpu.memory_space<hbm>>, %arg4: memref<41x128xf32, #tpu.memory_space<hbm>>, %arg5: memref<819200x128xf32, #tpu.memory_space<hbm>>, %arg6: memref<80x128xf32, #tpu.memory_space<vmem>>, %arg7: memref<80x128xf32, #tpu.memory_space<vmem>>, %arg8: memref<80x128xf32, #tpu.memory_space<vmem>>, %arg9: memref<80x128xf32, #tpu.memory_space<vmem>>, %arg10: memref<80x128xf32, #tpu.memory_space<vmem>>, %arg11: memref<80x128xf32, #tpu.memory_space<vmem>>, %arg12: memref<80x128xf32, #tpu.memory_space<vmem>>, %arg13: memref<80x128xf32, #tpu.memory_space<vmem>>, %arg14: memref<25600xi32, #tpu.memory_space<vmem>>, %arg15: memref<41x128xf32, #tpu.memory_space<vmem_shared>>, %arg16: memref<!tpu.dma_semaphore, #tpu.memory_space<semaphore_mem>>, %arg17: memref<!tpu.dma_semaphore, #tpu.memory_space<semaphore_mem>>, %arg18: memref<!tpu.dma_semaphore, #tpu.memory_space<semaphore_mem>>, %arg19: memref<!tpu.dma_semaphore, #tpu.memory_space<semaphore_mem>>, %arg20: memref<!tpu.dma_semaphore, #tpu.memory_space<semaphore_mem>>, %arg21: memref<!tpu.dma_semaphore, #tpu.memory_space<semaphore_mem>>, %arg22: memref<!tpu.dma_semaphore, #tpu.memory_space<semaphore_mem>>, %arg23: memref<!tpu.dma_semaphore, #tpu.memory_space<semaphore_mem>>, %arg24: memref<!tpu.dma_semaphore, #tpu.memory_space<semaphore_mem>>, %arg25: memref<!tpu.dma_semaphore, #tpu.memory_space<semaphore_mem>>, %arg26: memref<!tpu.dma_semaphore, #tpu.memory_space<semaphore_mem>>, %arg27: memref<!tpu.dma_semaphore, #tpu.memory_space<semaphore_mem>>, %arg28: memref<!tpu.dma_semaphore, #tpu.memory_space<semaphore_mem>>, %arg29: memref<!tpu.dma_semaphore, #tpu.memory_space<semaphore_mem>>, %arg30: memref<!tpu.dma_semaphore, #tpu.memory_space<semaphore_mem>>, %arg31: memref<!tpu.dma_semaphore, #tpu.memory_space<semaphore_mem>>, %arg32: memref<!tpu.dma_semaphore, #tpu.memory_space<semaphore_mem>>, %arg33: memref<!tpu.dma_semaphore, #tpu.memory_space<semaphore_mem>>) attributes {dimension_semantics = [#tpu.dimension_semantics<core_parallel>, #tpu.dimension_semantics<subcore_parallel>], iteration_bounds = array<i64: 2, 16>, scalar_prefetch = 0 : i64, scratch_operands = 28 : i64, tpu.core_type = #tpu.core_type<sc_vector_subcore>, window_params = [{transform_indices = #map}, {transform_indices = #map1}, {transform_indices = #map}, {transform_indices = #map}]} {
    %mul3A = arith.constant 2 : i32
    %mul3A_0 = arith.muli %arg1, %mul3A : i32
    %add3A = arith.addi %mul3A_0, %arg0 : i32
    %mul3A_1 = arith.constant 25600 : i32
    %mul3A_2 = arith.muli %add3A, %mul3A_1 : i32
    %dma_start3A = tpu.memref_slice %arg3[%mul3A_2] : memref<819200xi32, #tpu.memory_space<hbm>> -> memref<25600xi32, #tpu.memory_space<hbm>>
    %dma_start3A_3 = tpu.memref_slice %arg3[%mul3A_2] : memref<819200xi32, #tpu.memory_space<hbm>> -> memref<25600xi32, #tpu.memory_space<hbm>>
    tpu.enqueue_dma source(%dma_start3A_3 : memref<25600xi32, #tpu.memory_space<hbm>>) target(%arg14 : memref<25600xi32, #tpu.memory_space<vmem>>) target_semaphore(%arg16 : memref<!tpu.dma_semaphore, #tpu.memory_space<semaphore_mem>>)
    %eq3A = arith.constant 0 : i32
    %eq3A_4 = arith.cmpi eq, %arg1, %eq3A : i32
    %convert_element_type3A = arith.extui %eq3A_4 : i1 to i32
    %cond3A = arith.constant 0 : i32
    %cond3A_5 = arith.cmpi ne, %convert_element_type3A, %cond3A : i32
    scf.if %cond3A_5 {
      "tpu.region"() ({
        %run_scoped3A = tpu.sem_alloc : memref<!tpu.dma_semaphore, #tpu.memory_space<semaphore_mem>>
        %dma_start3A_122 = arith.constant 0 : i32
        %dma_start3A_123 = arith.constant 0 : i32
        %dma_start3A_124 = tpu.memref_slice %arg6[%dma_start3A_122, %dma_start3A_123] : memref<80x128xf32, #tpu.memory_space<vmem>> -> memref<41x128xf32, #tpu.memory_space<vmem>>
        %dma_start3A_125 = arith.constant 0 : i32
        %dma_start3A_126 = arith.constant 0 : i32
        %dma_start3A_127 = tpu.memref_slice %arg6[%dma_start3A_125, %dma_start3A_126] : memref<80x128xf32, #tpu.memory_space<vmem>> -> memref<41x128xf32, #tpu.memory_space<vmem>>
        tpu.enqueue_dma source(%arg4 : memref<41x128xf32, #tpu.memory_space<hbm>>) target(%dma_start3A_127 : memref<41x128xf32, #tpu.memory_space<vmem>>) target_semaphore(%run_scoped3A : memref<!tpu.dma_semaphore, #tpu.memory_space<semaphore_mem>>)
        %dma_wait3A_128 = arith.constant 0 : i32
        %dma_wait3A_129 = arith.constant 0 : i32
        %dma_wait3A_130 = tpu.memref_slice %arg6[%dma_wait3A_128, %dma_wait3A_129] : memref<80x128xf32, #tpu.memory_space<vmem>> -> memref<41x128xf32, #tpu.memory_space<vmem>>
        %dma_wait3A_131 = arith.constant 0 : i32
        %dma_wait3A_132 = arith.constant 0 : i32
        %dma_wait3A_133 = tpu.memref_slice %arg6[%dma_wait3A_131, %dma_wait3A_132] : memref<80x128xf32, #tpu.memory_space<vmem>> -> memref<41x128xf32, #tpu.memory_space<vmem>>
        tpu.wait_dma2 semaphore(%run_scoped3A : memref<!tpu.dma_semaphore, #tpu.memory_space<semaphore_mem>>) src(%arg4 : memref<41x128xf32, #tpu.memory_space<hbm>>) dst(%dma_wait3A_133 : memref<41x128xf32, #tpu.memory_space<vmem>>)
        tpu.yield
      }) : () -> ()
      %broadcast_in_dim3A = arith.constant 0.000000e+00 : f32
      %broadcast_in_dim3A_60 = vector.broadcast %broadcast_in_dim3A : f32 to vector<16xf32>
      %swap3A = arith.constant 0 : i32
      %swap3A_61 = arith.index_cast %swap3A : i32 to index
      %swap3A_62 = arith.constant 0 : index
      %swap3A_63 = tpu.vector_load %arg6[%swap3A_61, %swap3A_62] {strides = array<i32>} : memref<80x128xf32, #tpu.memory_space<vmem>>, vector<1x16xf32>,
      %swap3A_64 = vector.shape_cast %swap3A_63 : vector<1x16xf32> to vector<16xf32>
      %swap3A_65 = vector.shape_cast %broadcast_in_dim3A_60 : vector<16xf32> to vector<1x16xf32>
      tpu.vector_store %arg6[%swap3A_61, %swap3A_62], %swap3A_65 {strides = array<i32>} : memref<80x128xf32, #tpu.memory_space<vmem>>, vector<1x16xf32>,
      %broadcast_in_dim3A_66 = arith.constant 0.000000e+00 : f32
      %broadcast_in_dim3A_67 = vector.broadcast %broadcast_in_dim3A_66 : f32 to vector<16xf32>
      %swap3A_68 = arith.constant 0 : i32
      %swap3A_69 = arith.index_cast %swap3A_68 : i32 to index
      %swap3A_70 = arith.constant 16 : index
      %swap3A_71 = tpu.vector_load %arg6[%swap3A_69, %swap3A_70] {strides = array<i32>} : memref<80x128xf32, #tpu.memory_space<vmem>>, vector<1x16xf32>,
      %swap3A_72 = vector.shape_cast %swap3A_71 : vector<1x16xf32> to vector<16xf32>
      %swap3A_73 = vector.shape_cast %broadcast_in_dim3A_67 : vector<16xf32> to vector<1x16xf32>
      tpu.vector_store %arg6[%swap3A_69, %swap3A_70], %swap3A_73 {strides = array<i32>} : memref<80x128xf32, #tpu.memory_space<vmem>>, vector<1x16xf32>,
      %broadcast_in_dim3A_74 = arith.constant 0.000000e+00 : f32
      %broadcast_in_dim3A_75 = vector.broadcast %broadcast_in_dim3A_74 : f32 to vector<16xf32>
      %swap3A_76 = arith.constant 0 : i32
      %swap3A_77 = arith.index_cast %swap3A_76 : i32 to index
      %swap3A_78 = arith.constant 32 : index
      %swap3A_79 = tpu.vector_load %arg6[%swap3A_77, %swap3A_78] {strides = array<i32>} : memref<80x128xf32, #tpu.memory_space<vmem>>, vector<1x16xf32>,
      %swap3A_80 = vector.shape_cast %swap3A_79 : vector<1x16xf32> to vector<16xf32>
      %swap3A_81 = vector.shape_cast %broadcast_in_dim3A_75 : vector<16xf32> to vector<1x16xf32>
      tpu.vector_store %arg6[%swap3A_77, %swap3A_78], %swap3A_81 {strides = array<i32>} : memref<80x128xf32, #tpu.memory_space<vmem>>, vector<1x16xf32>,
      %broadcast_in_dim3A_82 = arith.constant 0.000000e+00 : f32
      %broadcast_in_dim3A_83 = vector.broadcast %broadcast_in_dim3A_82 : f32 to vector<16xf32>
      %swap3A_84 = arith.constant 0 : i32
      %swap3A_85 = arith.index_cast %swap3A_84 : i32 to index
      %swap3A_86 = arith.constant 48 : index
      %swap3A_87 = tpu.vector_load %arg6[%swap3A_85, %swap3A_86] {strides = array<i32>} : memref<80x128xf32, #tpu.memory_space<vmem>>, vector<1x16xf32>,
      %swap3A_88 = vector.shape_cast %swap3A_87 : vector<1x16xf32> to vector<16xf32>
      %swap3A_89 = vector.shape_cast %broadcast_in_dim3A_83 : vector<16xf32> to vector<1x16xf32>
      tpu.vector_store %arg6[%swap3A_85, %swap3A_86], %swap3A_89 {strides = array<i32>} : memref<80x128xf32, #tpu.memory_space<vmem>>, vector<1x16xf32>,
      %broadcast_in_dim3A_90 = arith.constant 0.000000e+00 : f32
      %broadcast_in_dim3A_91 = vector.broadcast %broadcast_in_dim3A_90 : f32 to vector<16xf32>
      %swap3A_92 = arith.constant 0 : i32
      %swap3A_93 = arith.index_cast %swap3A_92 : i32 to index
      %swap3A_94 = arith.constant 64 : index
      %swap3A_95 = tpu.vector_load %arg6[%swap3A_93, %swap3A_94] {strides = array<i32>} : memref<80x128xf32, #tpu.memory_space<vmem>>, vector<1x16xf32>,
      %swap3A_96 = vector.shape_cast %swap3A_95 : vector<1x16xf32> to vector<16xf32>
      %swap3A_97 = vector.shape_cast %broadcast_in_dim3A_91 : vector<16xf32> to vector<1x16xf32>
      tpu.vector_store %arg6[%swap3A_93, %swap3A_94], %swap3A_97 {strides = array<i32>} : memref<80x128xf32, #tpu.memory_space<vmem>>, vector<1x16xf32>,
      %broadcast_in_dim3A_98 = arith.constant 0.000000e+00 : f32
      %broadcast_in_dim3A_99 = vector.broadcast %broadcast_in_dim3A_98 : f32 to vector<16xf32>
      %swap3A_100 = arith.constant 0 : i32
      %swap3A_101 = arith.index_cast %swap3A_100 : i32 to index
      %swap3A_102 = arith.constant 80 : index
      %swap3A_103 = tpu.vector_load %arg6[%swap3A_101, %swap3A_102] {strides = array<i32>} : memref<80x128xf32, #tpu.memory_space<vmem>>, vector<1x16xf32>,
      %swap3A_104 = vector.shape_cast %swap3A_103 : vector<1x16xf32> to vector<16xf32>
      %swap3A_105 = vector.shape_cast %broadcast_in_dim3A_99 : vector<16xf32> to vector<1x16xf32>
      tpu.vector_store %arg6[%swap3A_101, %swap3A_102], %swap3A_105 {strides = array<i32>} : memref<80x128xf32, #tpu.memory_space<vmem>>, vector<1x16xf32>,
      %broadcast_in_dim3A_106 = arith.constant 0.000000e+00 : f32
      %broadcast_in_dim3A_107 = vector.broadcast %broadcast_in_dim3A_106 : f32 to vector<16xf32>
      %swap3A_108 = arith.constant 0 : i32
      %swap3A_109 = arith.index_cast %swap3A_108 : i32 to index
      %swap3A_110 = arith.constant 96 : index
      %swap3A_111 = tpu.vector_load %arg6[%swap3A_109, %swap3A_110] {strides = array<i32>} : memref<80x128xf32, #tpu.memory_space<vmem>>, vector<1x16xf32>,
      %swap3A_112 = vector.shape_cast %swap3A_111 : vector<1x16xf32> to vector<16xf32>
      %swap3A_113 = vector.shape_cast %broadcast_in_dim3A_107 : vector<16xf32> to vector<1x16xf32>
      tpu.vector_store %arg6[%swap3A_109, %swap3A_110], %swap3A_113 {strides = array<i32>} : memref<80x128xf32, #tpu.memory_space<vmem>>, vector<1x16xf32>,
      %broadcast_in_dim3A_114 = arith.constant 0.000000e+00 : f32
      %broadcast_in_dim3A_115 = vector.broadcast %broadcast_in_dim3A_114 : f32 to vector<16xf32>
      %swap3A_116 = arith.constant 0 : i32
      %swap3A_117 = arith.index_cast %swap3A_116 : i32 to index
      %swap3A_118 = arith.constant 112 : index
      %swap3A_119 = tpu.vector_load %arg6[%swap3A_117, %swap3A_118] {strides = array<i32>} : memref<80x128xf32, #tpu.memory_space<vmem>>, vector<1x16xf32>,
      %swap3A_120 = vector.shape_cast %swap3A_119 : vector<1x16xf32> to vector<16xf32>
      %swap3A_121 = vector.shape_cast %broadcast_in_dim3A_115 : vector<16xf32> to vector<1x16xf32>
      tpu.vector_store %arg6[%swap3A_117, %swap3A_118], %swap3A_121 {strides = array<i32>} : memref<80x128xf32, #tpu.memory_space<vmem>>, vector<1x16xf32>,
      "tpu.region"() ({
        %run_scoped3A = tpu.sem_alloc : memref<!tpu.dma_semaphore, #tpu.memory_space<semaphore_mem>>
        %dma_start3A_122 = arith.constant 0 : i32
        %dma_start3A_123 = arith.constant 0 : i32
        %dma_start3A_124 = tpu.memref_slice %arg6[%dma_start3A_122, %dma_start3A_123] : memref<80x128xf32, #tpu.memory_space<vmem>> -> memref<41x128xf32, #tpu.memory_space<vmem>>
        %dma_start3A_125 = arith.constant 0 : i32
        %dma_start3A_126 = arith.constant 0 : i32
        %dma_start3A_127 = tpu.memref_slice %arg6[%dma_start3A_125, %dma_start3A_126] : memref<80x128xf32, #tpu.memory_space<vmem>> -> memref<41x128xf32, #tpu.memory_space<vmem>>
        tpu.enqueue_dma source(%dma_start3A_127 : memref<41x128xf32, #tpu.memory_space<vmem>>) target(%arg15 : memref<41x128xf32, #tpu.memory_space<vmem_shared>>) target_semaphore(%run_scoped3A : memref<!tpu.dma_semaphore, #tpu.memory_space<semaphore_mem>>)
        %dma_wait3A_128 = arith.constant 0 : i32
        %dma_wait3A_129 = arith.constant 0 : i32
        %dma_wait3A_130 = tpu.memref_slice %arg6[%dma_wait3A_128, %dma_wait3A_129] : memref<80x128xf32, #tpu.memory_space<vmem>> -> memref<41x128xf32, #tpu.memory_space<vmem>>
        %dma_wait3A_131 = arith.constant 0 : i32
        %dma_wait3A_132 = arith.constant 0 : i32
        %dma_wait3A_133 = tpu.memref_slice %arg6[%dma_wait3A_131, %dma_wait3A_132] : memref<80x128xf32, #tpu.memory_space<vmem>> -> memref<41x128xf32, #tpu.memory_space<vmem>>
        tpu.wait_dma2 semaphore(%run_scoped3A : memref<!tpu.dma_semaphore, #tpu.memory_space<semaphore_mem>>) src(%dma_wait3A_133 : memref<41x128xf32, #tpu.memory_space<vmem>>) dst(%arg15 : memref<41x128xf32, #tpu.memory_space<vmem_shared>>)
        tpu.yield
      }) : () -> ()
    } else {
    }
    %add3A_6 = arith.constant 0 : i32
    %add3A_7 = arith.addi %mul3A_2, %add3A_6 : i32
    %dma_start3A_8 = arith.constant 0 : i32
    %dma_start3A_9 = tpu.memref_slice %arg2[%add3A_7, %dma_start3A_8] : memref<819200x128xf32, #tpu.memory_space<hbm>> -> memref<80x128xf32, #tpu.memory_space<hbm>>
    %dma_start3A_10 = arith.constant 0 : i32
    %dma_start3A_11 = tpu.memref_slice %arg2[%add3A_7, %dma_start3A_10] : memref<819200x128xf32, #tpu.memory_space<hbm>> -> memref<80x128xf32, #tpu.memory_space<hbm>>
    tpu.enqueue_dma source(%dma_start3A_11 : memref<80x128xf32, #tpu.memory_space<hbm>>) target(%arg6 : memref<80x128xf32, #tpu.memory_space<vmem>>) target_semaphore(%arg17 : memref<!tpu.dma_semaphore, #tpu.memory_space<semaphore_mem>>)
    %add3A_12 = arith.constant 80 : i32
    %add3A_13 = arith.addi %mul3A_2, %add3A_12 : i32
    %dma_start3A_14 = arith.constant 0 : i32
    %dma_start3A_15 = tpu.memref_slice %arg2[%add3A_13, %dma_start3A_14] : memref<819200x128xf32, #tpu.memory_space<hbm>> -> memref<80x128xf32, #tpu.memory_space<hbm>>
    %dma_start3A_16 = arith.constant 0 : i32
    %dma_start3A_17 = tpu.memref_slice %arg2[%add3A_13, %dma_start3A_16] : memref<819200x128xf32, #tpu.memory_space<hbm>> -> memref<80x128xf32, #tpu.memory_space<hbm>>
    tpu.enqueue_dma source(%dma_start3A_17 : memref<80x128xf32, #tpu.memory_space<hbm>>) target(%arg7 : memref<80x128xf32, #tpu.memory_space<vmem>>) target_semaphore(%arg18 : memref<!tpu.dma_semaphore, #tpu.memory_space<semaphore_mem>>)
    %add3A_18 = arith.constant 160 : i32
    %add3A_19 = arith.addi %mul3A_2, %add3A_18 : i32
    %dma_start3A_20 = arith.constant 0 : i32
    %dma_start3A_21 = tpu.memref_slice %arg2[%add3A_19, %dma_start3A_20] : memref<819200x128xf32, #tpu.memory_space<hbm>> -> memref<80x128xf32, #tpu.memory_space<hbm>>
    %dma_start3A_22 = arith.constant 0 : i32
    %dma_start3A_23 = tpu.memref_slice %arg2[%add3A_19, %dma_start3A_22] : memref<819200x128xf32, #tpu.memory_space<hbm>> -> memref<80x128xf32, #tpu.memory_space<hbm>>
    tpu.enqueue_dma source(%dma_start3A_23 : memref<80x128xf32, #tpu.memory_space<hbm>>) target(%arg8 : memref<80x128xf32, #tpu.memory_space<vmem>>) target_semaphore(%arg19 : memref<!tpu.dma_semaphore, #tpu.memory_space<semaphore_mem>>)
    %add3A_24 = arith.constant 240 : i32
    %add3A_25 = arith.addi %mul3A_2, %add3A_24 : i32
    %dma_start3A_26 = arith.constant 0 : i32
    %dma_start3A_27 = tpu.memref_slice %arg2[%add3A_25, %dma_start3A_26] : memref<819200x128xf32, #tpu.memory_space<hbm>> -> memref<80x128xf32, #tpu.memory_space<hbm>>
    %dma_start3A_28 = arith.constant 0 : i32
    %dma_start3A_29 = tpu.memref_slice %arg2[%add3A_25, %dma_start3A_28] : memref<819200x128xf32, #tpu.memory_space<hbm>> -> memref<80x128xf32, #tpu.memory_space<hbm>>
    tpu.enqueue_dma source(%dma_start3A_29 : memref<80x128xf32, #tpu.memory_space<hbm>>) target(%arg9 : memref<80x128xf32, #tpu.memory_space<vmem>>) target_semaphore(%arg20 : memref<!tpu.dma_semaphore, #tpu.memory_space<semaphore_mem>>)
    %add3A_30 = arith.constant 320 : i32
    %add3A_31 = arith.addi %mul3A_2, %add3A_30 : i32
    %dma_start3A_32 = arith.constant 0 : i32
    %dma_start3A_33 = tpu.memref_slice %arg2[%add3A_31, %dma_start3A_32] : memref<819200x128xf32, #tpu.memory_space<hbm>> -> memref<80x128xf32, #tpu.memory_space<hbm>>
    %dma_start3A_34 = arith.constant 0 : i32
    %dma_start3A_35 = tpu.memref_slice %arg2[%add3A_31, %dma_start3A_34] : memref<819200x128xf32, #tpu.memory_space<hbm>> -> memref<80x128xf32, #tpu.memory_space<hbm>>
    tpu.enqueue_dma source(%dma_start3A_35 : memref<80x128xf32, #tpu.memory_space<hbm>>) target(%arg10 : memref<80x128xf32, #tpu.memory_space<vmem>>) target_semaphore(%arg21 : memref<!tpu.dma_semaphore, #tpu.memory_space<semaphore_mem>>)
    %add3A_36 = arith.constant 400 : i32
    %add3A_37 = arith.addi %mul3A_2, %add3A_36 : i32
    %dma_start3A_38 = arith.constant 0 : i32
    %dma_start3A_39 = tpu.memref_slice %arg2[%add3A_37, %dma_start3A_38] : memref<819200x128xf32, #tpu.memory_space<hbm>> -> memref<80x128xf32, #tpu.memory_space<hbm>>
    %dma_start3A_40 = arith.constant 0 : i32
    %dma_start3A_41 = tpu.memref_slice %arg2[%add3A_37, %dma_start3A_40] : memref<819200x128xf32, #tpu.memory_space<hbm>> -> memref<80x128xf32, #tpu.memory_space<hbm>>
    tpu.enqueue_dma source(%dma_start3A_41 : memref<80x128xf32, #tpu.memory_space<hbm>>) target(%arg11 : memref<80x128xf32, #tpu.memory_space<vmem>>) target_semaphore(%arg22 : memref<!tpu.dma_semaphore, #tpu.memory_space<semaphore_mem>>)
    %barrier3A = arith.constant 0 : index
    tpu.barrier barrier_id(%barrier3A)
    %dma_wait3A = tpu.memref_slice %arg3[%mul3A_2] : memref<819200xi32, #tpu.memory_space<hbm>> -> memref<25600xi32, #tpu.memory_space<hbm>>
    %dma_wait3A_42 = tpu.memref_slice %arg3[%mul3A_2] : memref<819200xi32, #tpu.memory_space<hbm>> -> memref<25600xi32, #tpu.memory_space<hbm>>
    tpu.wait_dma2 semaphore(%arg16 : memref<!tpu.dma_semaphore, #tpu.memory_space<semaphore_mem>>) src(%dma_wait3A_42 : memref<25600xi32, #tpu.memory_space<hbm>>) dst(%arg14 : memref<25600xi32, #tpu.memory_space<vmem>>)
    %scan3A = arith.constant 0 : i32
    %scan3A_43 = arith.constant 0 : i32
    %scan3A_44 = arith.constant 40 : i32
    %scan3A_45 = arith.addi %scan3A_43, %scan3A_44 : i32
    %scan3A_46 = arith.constant 1 : i32
    scf.for %scan3A_60 = %scan3A_43 to %scan3A_45 step %scan3A_46  : i32 {
      %mul3A_61 = arith.constant 8 : i32
      %mul3A_62 = arith.muli %scan3A_60, %mul3A_61 : i32
      %add3A_63 = arith.constant 0 : i32
      %add3A_64 = arith.addi %mul3A_62, %add3A_63 : i32
      %mul3A_65 = arith.constant 80 : i32
      %mul3A_66 = arith.muli %add3A_64, %mul3A_65 : i32
      %add3A_67 = arith.addi %mul3A_2, %mul3A_66 : i32
      %dma_wait3A_68 = arith.constant 0 : i32
      %dma_wait3A_69 = tpu.memref_slice %arg2[%add3A_67, %dma_wait3A_68] : memref<819200x128xf32, #tpu.memory_space<hbm>> -> memref<80x128xf32, #tpu.memory_space<hbm>>
      %dma_wait3A_70 = arith.constant 0 : i32
      %dma_wait3A_71 = tpu.memref_slice %arg2[%add3A_67, %dma_wait3A_70] : memref<819200x128xf32, #tpu.memory_space<hbm>> -> memref<80x128xf32, #tpu.memory_space<hbm>>
      tpu.wait_dma2 semaphore(%arg17 : memref<!tpu.dma_semaphore, #tpu.memory_space<semaphore_mem>>) src(%dma_wait3A_71 : memref<80x128xf32, #tpu.memory_space<hbm>>) dst(%arg6 : memref<80x128xf32, #tpu.memory_space<vmem>>)
      %mul3A_72 = arith.constant 80 : i32
      %mul3A_73 = arith.muli %add3A_64, %mul3A_72 : i32
      %add3A_74 = arith.constant 0 : i32
      %add3A_75 = arith.addi %mul3A_73, %add3A_74 : i32
      %dma_start3A_76 = arith.constant 0 : i32
      %dma_start3A_77 = arith.constant 0 : i32
      %dma_start3A_78 = tpu.memref_slice %arg6[%dma_start3A_76, %dma_start3A_77] : memref<80x128xf32, #tpu.memory_space<vmem>> -> memref<80x128xf32, #tpu.memory_space<vmem>>
      %dma_start3A_79 = tpu.memref_slice %arg14[%add3A_75] : memref<25600xi32, #tpu.memory_space<vmem>> -> memref<80xi32, #tpu.memory_space<vmem>>
      %dma_start3A_80 = arith.constant 0 : i32
      %dma_start3A_81 = arith.constant 0 : i32
      %dma_start3A_82 = tpu.memref_slice %arg15[%dma_start3A_80, %dma_start3A_81] : memref<41x128xf32, #tpu.memory_space<vmem_shared>> -> memref<41x128xf32, #tpu.memory_space<vmem_shared>>
      tpu.enqueue_indirect_dma source(%dma_start3A_82 : memref<41x128xf32, #tpu.memory_space<vmem_shared>>) target(%dma_start3A_78 : memref<80x128xf32, #tpu.memory_space<vmem>>) offsets(%dma_start3A_79 : memref<80xi32, #tpu.memory_space<vmem>>) semaphore(%arg25 : memref<!tpu.dma_semaphore, #tpu.memory_space<semaphore_mem>>) {add = true}
      %dma_wait3A_83 = arith.constant 0 : i32
      %dma_wait3A_84 = arith.constant 0 : i32
      %dma_wait3A_85 = tpu.memref_slice %arg6[%dma_wait3A_83, %dma_wait3A_84] : memref<80x128xf32, #tpu.memory_space<vmem>> -> memref<80x128xf32, #tpu.memory_space<vmem>>
      %dma_wait3A_86 = tpu.memref_slice %arg14[%add3A_75] : memref<25600xi32, #tpu.memory_space<vmem>> -> memref<80xi32, #tpu.memory_space<vmem>>
      %dma_wait3A_87 = arith.constant 0 : i32
      %dma_wait3A_88 = arith.constant 0 : i32
      %dma_wait3A_89 = tpu.memref_slice %arg15[%dma_wait3A_87, %dma_wait3A_88] : memref<41x128xf32, #tpu.memory_space<vmem_shared>> -> memref<41x128xf32, #tpu.memory_space<vmem_shared>>
      tpu.wait_indirect_dma semaphore(%arg25 : memref<!tpu.dma_semaphore, #tpu.memory_space<semaphore_mem>>) src(%dma_wait3A_89 : memref<41x128xf32, #tpu.memory_space<vmem_shared>>) dst(%dma_wait3A_85 : memref<80x128xf32, #tpu.memory_space<vmem>>)
      %mul3A_90 = arith.constant 80 : i32
      %mul3A_91 = arith.muli %add3A_64, %mul3A_90 : i32
      %add3A_92 = arith.addi %mul3A_2, %mul3A_91 : i32
      %dma_start3A_93 = arith.constant 0 : i32
      %dma_start3A_94 = tpu.memref_slice %arg5[%add3A_92, %dma_start3A_93] : memref<819200x128xf32, #tpu.memory_space<hbm>> -> memref<80x128xf32, #tpu.memory_space<hbm>>
      %dma_start3A_95 = arith.constant 0 : i32
      %dma_start3A_96 = tpu.memref_slice %arg5[%add3A_92, %dma_start3A_95] : memref<819200x128xf32, #tpu.memory_space<hbm>> -> memref<80x128xf32, #tpu.memory_space<hbm>>
      tpu.enqueue_dma source(%arg6 : memref<80x128xf32, #tpu.memory_space<vmem>>) target(%dma_start3A_96 : memref<80x128xf32, #tpu.memory_space<hbm>>) target_semaphore(%arg26 : memref<!tpu.dma_semaphore, #tpu.memory_space<semaphore_mem>>)
      %ge3A = arith.constant 2 : i32
      %ge3A_97 = arith.cmpi sge, %add3A_64, %ge3A : i32
      %convert_element_type3A_98 = arith.extui %ge3A_97 : i1 to i32
      %cond3A_99 = arith.constant 0 : i32
      %cond3A_100 = arith.cmpi ne, %convert_element_type3A_98, %cond3A_99 : i32
      scf.if %cond3A_100 {
        %sub3A = arith.constant 2 : i32
        %sub3A_443 = arith.subi %add3A_64, %sub3A : i32
        %mul3A_444 = arith.constant 80 : i32
        %mul3A_445 = arith.muli %sub3A_443, %mul3A_444 : i32
        %add3A_446 = arith.addi %mul3A_2, %mul3A_445 : i32
        %dma_wait3A_447 = arith.constant 0 : i32
        %dma_wait3A_448 = tpu.memref_slice %arg5[%add3A_446, %dma_wait3A_447] : memref<819200x128xf32, #tpu.memory_space<hbm>> -> memref<80x128xf32, #tpu.memory_space<hbm>>
        %dma_wait3A_449 = arith.constant 0 : i32
        %dma_wait3A_450 = tpu.memref_slice %arg5[%add3A_446, %dma_wait3A_449] : memref<819200x128xf32, #tpu.memory_space<hbm>> -> memref<80x128xf32, #tpu.memory_space<hbm>>
        tpu.wait_dma2 semaphore(%arg32 : memref<!tpu.dma_semaphore, #tpu.memory_space<semaphore_mem>>) src(%arg12 : memref<80x128xf32, #tpu.memory_space<vmem>>) dst(%dma_wait3A_450 : memref<80x128xf32, #tpu.memory_space<hbm>>)
      } else {
      }
      %add3A_101 = arith.constant 6 : i32
      %add3A_102 = arith.addi %add3A_64, %add3A_101 : i32
      %lt3A = arith.constant 320 : i32
      %lt3A_103 = arith.cmpi slt, %add3A_102, %lt3A : i32
      %convert_element_type3A_104 = arith.extui %lt3A_103 : i1 to i32
      %cond3A_105 = arith.constant 0 : i32
      %cond3A_106 = arith.cmpi ne, %convert_element_type3A_104, %cond3A_105 : i32
      scf.if %cond3A_106 {
        %add3A_443 = arith.constant 6 : i32
        %add3A_444 = arith.addi %add3A_64, %add3A_443 : i32
        %mul3A_445 = arith.constant 80 : i32
        %mul3A_446 = arith.muli %add3A_444, %mul3A_445 : i32
        %add3A_447 = arith.addi %mul3A_2, %mul3A_446 : i32
        %dma_start3A_448 = arith.constant 0 : i32
        %dma_start3A_449 = tpu.memref_slice %arg2[%add3A_447, %dma_start3A_448] : memref<819200x128xf32, #tpu.memory_space<hbm>> -> memref<80x128xf32, #tpu.memory_space<hbm>>
        %dma_start3A_450 = arith.constant 0 : i32
        %dma_start3A_451 = tpu.memref_slice %arg2[%add3A_447, %dma_start3A_450] : memref<819200x128xf32, #tpu.memory_space<hbm>> -> memref<80x128xf32, #tpu.memory_space<hbm>>
        tpu.enqueue_dma source(%dma_start3A_451 : memref<80x128xf32, #tpu.memory_space<hbm>>) target(%arg12 : memref<80x128xf32, #tpu.memory_space<vmem>>) target_semaphore(%arg23 : memref<!tpu.dma_semaphore, #tpu.memory_space<semaphore_mem>>)
      } else {
      }
      %mul3A_107 = arith.constant 8 : i32
      %mul3A_108 = arith.muli %scan3A_60, %mul3A_107 : i32
      %add3A_109 = arith.constant 1 : i32
      %add3A_110 = arith.addi %mul3A_108, %add3A_109 : i32
      %mul3A_111 = arith.constant 80 : i32
      %mul3A_112 = arith.muli %add3A_110, %mul3A_111 : i32
      %add3A_113 = arith.addi %mul3A_2, %mul3A_112 : i32
      %dma_wait3A_114 = arith.constant 0 : i32
      %dma_wait3A_115 = tpu.memref_slice %arg2[%add3A_113, %dma_wait3A_114] : memref<819200x128xf32, #tpu.memory_space<hbm>> -> memref<80x128xf32, #tpu.memory_space<hbm>>
      %dma_wait3A_116 = arith.constant 0 : i32
      %dma_wait3A_117 = tpu.memref_slice %arg2[%add3A_113, %dma_wait3A_116] : memref<819200x128xf32, #tpu.memory_space<hbm>> -> memref<80x128xf32, #tpu.memory_space<hbm>>
      tpu.wait_dma2 semaphore(%arg18 : memref<!tpu.dma_semaphore, #tpu.memory_space<semaphore_mem>>) src(%dma_wait3A_117 : memref<80x128xf32, #tpu.memory_space<hbm>>) dst(%arg7 : memref<80x128xf32, #tpu.memory_space<vmem>>)
      %mul3A_118 = arith.constant 80 : i32
      %mul3A_119 = arith.muli %add3A_110, %mul3A_118 : i32
      %add3A_120 = arith.constant 0 : i32
      %add3A_121 = arith.addi %mul3A_119, %add3A_120 : i32
      %dma_start3A_122 = arith.constant 0 : i32
      %dma_start3A_123 = arith.constant 0 : i32
      %dma_start3A_124 = tpu.memref_slice %arg7[%dma_start3A_122, %dma_start3A_123] : memref<80x128xf32, #tpu.memory_space<vmem>> -> memref<80x128xf32, #tpu.memory_space<vmem>>
      %dma_start3A_125 = tpu.memref_slice %arg14[%add3A_121] : memref<25600xi32, #tpu.memory_space<vmem>> -> memref<80xi32, #tpu.memory_space<vmem>>
      %dma_start3A_126 = arith.constant 0 : i32
      %dma_start3A_127 = arith.constant 0 : i32
      %dma_start3A_128 = tpu.memref_slice %arg15[%dma_start3A_126, %dma_start3A_127] : memref<41x128xf32, #tpu.memory_space<vmem_shared>> -> memref<41x128xf32, #tpu.memory_space<vmem_shared>>
      tpu.enqueue_indirect_dma source(%dma_start3A_128 : memref<41x128xf32, #tpu.memory_space<vmem_shared>>) target(%dma_start3A_124 : memref<80x128xf32, #tpu.memory_space<vmem>>) offsets(%dma_start3A_125 : memref<80xi32, #tpu.memory_space<vmem>>) semaphore(%arg25 : memref<!tpu.dma_semaphore, #tpu.memory_space<semaphore_mem>>) {add = true}
      %dma_wait3A_129 = arith.constant 0 : i32
      %dma_wait3A_130 = arith.constant 0 : i32
      %dma_wait3A_131 = tpu.memref_slice %arg7[%dma_wait3A_129, %dma_wait3A_130] : memref<80x128xf32, #tpu.memory_space<vmem>> -> memref<80x128xf32, #tpu.memory_space<vmem>>
      %dma_wait3A_132 = tpu.memref_slice %arg14[%add3A_121] : memref<25600xi32, #tpu.memory_space<vmem>> -> memref<80xi32, #tpu.memory_space<vmem>>
      %dma_wait3A_133 = arith.constant 0 : i32
      %dma_wait3A_134 = arith.constant 0 : i32
      %dma_wait3A_135 = tpu.memref_slice %arg15[%dma_wait3A_133, %dma_wait3A_134] : memref<41x128xf32, #tpu.memory_space<vmem_shared>> -> memref<41x128xf32, #tpu.memory_space<vmem_shared>>
      tpu.wait_indirect_dma semaphore(%arg25 : memref<!tpu.dma_semaphore, #tpu.memory_space<semaphore_mem>>) src(%dma_wait3A_135 : memref<41x128xf32, #tpu.memory_space<vmem_shared>>) dst(%dma_wait3A_131 : memref<80x128xf32, #tpu.memory_space<vmem>>)
      %mul3A_136 = arith.constant 80 : i32
      %mul3A_137 = arith.muli %add3A_110, %mul3A_136 : i32
      %add3A_138 = arith.addi %mul3A_2, %mul3A_137 : i32
      %dma_start3A_139 = arith.constant 0 : i32
      %dma_start3A_140 = tpu.memref_slice %arg5[%add3A_138, %dma_start3A_139] : memref<819200x128xf32, #tpu.memory_space<hbm>> -> memref<80x128xf32, #tpu.memory_space<hbm>>
      %dma_start3A_141 = arith.constant 0 : i32
      %dma_start3A_142 = tpu.memref_slice %arg5[%add3A_138, %dma_start3A_141] : memref<819200x128xf32, #tpu.memory_space<hbm>> -> memref<80x128xf32, #tpu.memory_space<hbm>>
      tpu.enqueue_dma source(%arg7 : memref<80x128xf32, #tpu.memory_space<vmem>>) target(%dma_start3A_142 : memref<80x128xf32, #tpu.memory_space<hbm>>) target_semaphore(%arg27 : memref<!tpu.dma_semaphore, #tpu.memory_space<semaphore_mem>>)
      %ge3A_143 = arith.constant 2 : i32
      %ge3A_144 = arith.cmpi sge, %add3A_110, %ge3A_143 : i32
      %convert_element_type3A_145 = arith.extui %ge3A_144 : i1 to i32
      %cond3A_146 = arith.constant 0 : i32
      %cond3A_147 = arith.cmpi ne, %convert_element_type3A_145, %cond3A_146 : i32
      scf.if %cond3A_147 {
        %sub3A = arith.constant 2 : i32
        %sub3A_443 = arith.subi %add3A_110, %sub3A : i32
        %mul3A_444 = arith.constant 80 : i32
        %mul3A_445 = arith.muli %sub3A_443, %mul3A_444 : i32
        %add3A_446 = arith.addi %mul3A_2, %mul3A_445 : i32
        %dma_wait3A_447 = arith.constant 0 : i32
        %dma_wait3A_448 = tpu.memref_slice %arg5[%add3A_446, %dma_wait3A_447] : memref<819200x128xf32, #tpu.memory_space<hbm>> -> memref<80x128xf32, #tpu.memory_space<hbm>>
        %dma_wait3A_449 = arith.constant 0 : i32
        %dma_wait3A_450 = tpu.memref_slice %arg5[%add3A_446, %dma_wait3A_449] : memref<819200x128xf32, #tpu.memory_space<hbm>> -> memref<80x128xf32, #tpu.memory_space<hbm>>
        tpu.wait_dma2 semaphore(%arg33 : memref<!tpu.dma_semaphore, #tpu.memory_space<semaphore_mem>>) src(%arg13 : memref<80x128xf32, #tpu.memory_space<vmem>>) dst(%dma_wait3A_450 : memref<80x128xf32, #tpu.memory_space<hbm>>)
      } else {
      }
      %add3A_148 = arith.constant 6 : i32
      %add3A_149 = arith.addi %add3A_110, %add3A_148 : i32
      %lt3A_150 = arith.constant 320 : i32
      %lt3A_151 = arith.cmpi slt, %add3A_149, %lt3A_150 : i32
      %convert_element_type3A_152 = arith.extui %lt3A_151 : i1 to i32
      %cond3A_153 = arith.constant 0 : i32
      %cond3A_154 = arith.cmpi ne, %convert_element_type3A_152, %cond3A_153 : i32
      scf.if %cond3A_154 {
        %add3A_443 = arith.constant 6 : i32
        %add3A_444 = arith.addi %add3A_110, %add3A_443 : i32
        %mul3A_445 = arith.constant 80 : i32
        %mul3A_446 = arith.muli %add3A_444, %mul3A_445 : i32
        %add3A_447 = arith.addi %mul3A_2, %mul3A_446 : i32
        %dma_start3A_448 = arith.constant 0 : i32
        %dma_start3A_449 = tpu.memref_slice %arg2[%add3A_447, %dma_start3A_448] : memref<819200x128xf32, #tpu.memory_space<hbm>> -> memref<80x128xf32, #tpu.memory_space<hbm>>
        %dma_start3A_450 = arith.constant 0 : i32
        %dma_start3A_451 = tpu.memref_slice %arg2[%add3A_447, %dma_start3A_450] : memref<819200x128xf32, #tpu.memory_space<hbm>> -> memref<80x128xf32, #tpu.memory_space<hbm>>
        tpu.enqueue_dma source(%dma_start3A_451 : memref<80x128xf32, #tpu.memory_space<hbm>>) target(%arg13 : memref<80x128xf32, #tpu.memory_space<vmem>>) target_semaphore(%arg24 : memref<!tpu.dma_semaphore, #tpu.memory_space<semaphore_mem>>)
      } else {
      }
      %mul3A_155 = arith.constant 8 : i32
      %mul3A_156 = arith.muli %scan3A_60, %mul3A_155 : i32
      %add3A_157 = arith.constant 2 : i32
      %add3A_158 = arith.addi %mul3A_156, %add3A_157 : i32
      %mul3A_159 = arith.constant 80 : i32
      %mul3A_160 = arith.muli %add3A_158, %mul3A_159 : i32
      %add3A_161 = arith.addi %mul3A_2, %mul3A_160 : i32
      %dma_wait3A_162 = arith.constant 0 : i32
      %dma_wait3A_163 = tpu.memref_slice %arg2[%add3A_161, %dma_wait3A_162] : memref<819200x128xf32, #tpu.memory_space<hbm>> -> memref<80x128xf32, #tpu.memory_space<hbm>>
      %dma_wait3A_164 = arith.constant 0 : i32
      %dma_wait3A_165 = tpu.memref_slice %arg2[%add3A_161, %dma_wait3A_164] : memref<819200x128xf32, #tpu.memory_space<hbm>> -> memref<80x128xf32, #tpu.memory_space<hbm>>
      tpu.wait_dma2 semaphore(%arg19 : memref<!tpu.dma_semaphore, #tpu.memory_space<semaphore_mem>>) src(%dma_wait3A_165 : memref<80x128xf32, #tpu.memory_space<hbm>>) dst(%arg8 : memref<80x128xf32, #tpu.memory_space<vmem>>)
      %mul3A_166 = arith.constant 80 : i32
      %mul3A_167 = arith.muli %add3A_158, %mul3A_166 : i32
      %add3A_168 = arith.constant 0 : i32
      %add3A_169 = arith.addi %mul3A_167, %add3A_168 : i32
      %dma_start3A_170 = arith.constant 0 : i32
      %dma_start3A_171 = arith.constant 0 : i32
      %dma_start3A_172 = tpu.memref_slice %arg8[%dma_start3A_170, %dma_start3A_171] : memref<80x128xf32, #tpu.memory_space<vmem>> -> memref<80x128xf32, #tpu.memory_space<vmem>>
      %dma_start3A_173 = tpu.memref_slice %arg14[%add3A_169] : memref<25600xi32, #tpu.memory_space<vmem>> -> memref<80xi32, #tpu.memory_space<vmem>>
      %dma_start3A_174 = arith.constant 0 : i32
      %dma_start3A_175 = arith.constant 0 : i32
      %dma_start3A_176 = tpu.memref_slice %arg15[%dma_start3A_174, %dma_start3A_175] : memref<41x128xf32, #tpu.memory_space<vmem_shared>> -> memref<41x128xf32, #tpu.memory_space<vmem_shared>>
      tpu.enqueue_indirect_dma source(%dma_start3A_176 : memref<41x128xf32, #tpu.memory_space<vmem_shared>>) target(%dma_start3A_172 : memref<80x128xf32, #tpu.memory_space<vmem>>) offsets(%dma_start3A_173 : memref<80xi32, #tpu.memory_space<vmem>>) semaphore(%arg25 : memref<!tpu.dma_semaphore, #tpu.memory_space<semaphore_mem>>) {add = true}
      %dma_wait3A_177 = arith.constant 0 : i32
      %dma_wait3A_178 = arith.constant 0 : i32
      %dma_wait3A_179 = tpu.memref_slice %arg8[%dma_wait3A_177, %dma_wait3A_178] : memref<80x128xf32, #tpu.memory_space<vmem>> -> memref<80x128xf32, #tpu.memory_space<vmem>>
      %dma_wait3A_180 = tpu.memref_slice %arg14[%add3A_169] : memref<25600xi32, #tpu.memory_space<vmem>> -> memref<80xi32, #tpu.memory_space<vmem>>
      %dma_wait3A_181 = arith.constant 0 : i32
      %dma_wait3A_182 = arith.constant 0 : i32
      %dma_wait3A_183 = tpu.memref_slice %arg15[%dma_wait3A_181, %dma_wait3A_182] : memref<41x128xf32, #tpu.memory_space<vmem_shared>> -> memref<41x128xf32, #tpu.memory_space<vmem_shared>>
      tpu.wait_indirect_dma semaphore(%arg25 : memref<!tpu.dma_semaphore, #tpu.memory_space<semaphore_mem>>) src(%dma_wait3A_183 : memref<41x128xf32, #tpu.memory_space<vmem_shared>>) dst(%dma_wait3A_179 : memref<80x128xf32, #tpu.memory_space<vmem>>)
      %mul3A_184 = arith.constant 80 : i32
      %mul3A_185 = arith.muli %add3A_158, %mul3A_184 : i32
      %add3A_186 = arith.addi %mul3A_2, %mul3A_185 : i32
      %dma_start3A_187 = arith.constant 0 : i32
      %dma_start3A_188 = tpu.memref_slice %arg5[%add3A_186, %dma_start3A_187] : memref<819200x128xf32, #tpu.memory_space<hbm>> -> memref<80x128xf32, #tpu.memory_space<hbm>>
      %dma_start3A_189 = arith.constant 0 : i32
      %dma_start3A_190 = tpu.memref_slice %arg5[%add3A_186, %dma_start3A_189] : memref<819200x128xf32, #tpu.memory_space<hbm>> -> memref<80x128xf32, #tpu.memory_space<hbm>>
      tpu.enqueue_dma source(%arg8 : memref<80x128xf32, #tpu.memory_space<vmem>>) target(%dma_start3A_190 : memref<80x128xf32, #tpu.memory_space<hbm>>) target_semaphore(%arg28 : memref<!tpu.dma_semaphore, #tpu.memory_space<semaphore_mem>>)
      %ge3A_191 = arith.constant 2 : i32
      %ge3A_192 = arith.cmpi sge, %add3A_158, %ge3A_191 : i32
      %convert_element_type3A_193 = arith.extui %ge3A_192 : i1 to i32
      %cond3A_194 = arith.constant 0 : i32
      %cond3A_195 = arith.cmpi ne, %convert_element_type3A_193, %cond3A_194 : i32
      scf.if %cond3A_195 {
        %sub3A = arith.constant 2 : i32
        %sub3A_443 = arith.subi %add3A_158, %sub3A : i32
        %mul3A_444 = arith.constant 80 : i32
        %mul3A_445 = arith.muli %sub3A_443, %mul3A_444 : i32
        %add3A_446 = arith.addi %mul3A_2, %mul3A_445 : i32
        %dma_wait3A_447 = arith.constant 0 : i32
        %dma_wait3A_448 = tpu.memref_slice %arg5[%add3A_446, %dma_wait3A_447] : memref<819200x128xf32, #tpu.memory_space<hbm>> -> memref<80x128xf32, #tpu.memory_space<hbm>>
        %dma_wait3A_449 = arith.constant 0 : i32
        %dma_wait3A_450 = tpu.memref_slice %arg5[%add3A_446, %dma_wait3A_449] : memref<819200x128xf32, #tpu.memory_space<hbm>> -> memref<80x128xf32, #tpu.memory_space<hbm>>
        tpu.wait_dma2 semaphore(%arg26 : memref<!tpu.dma_semaphore, #tpu.memory_space<semaphore_mem>>) src(%arg6 : memref<80x128xf32, #tpu.memory_space<vmem>>) dst(%dma_wait3A_450 : memref<80x128xf32, #tpu.memory_space<hbm>>)
      } else {
      }
      %add3A_196 = arith.constant 6 : i32
      %add3A_197 = arith.addi %add3A_158, %add3A_196 : i32
      %lt3A_198 = arith.constant 320 : i32
      %lt3A_199 = arith.cmpi slt, %add3A_197, %lt3A_198 : i32
      %convert_element_type3A_200 = arith.extui %lt3A_199 : i1 to i32
      %cond3A_201 = arith.constant 0 : i32
      %cond3A_202 = arith.cmpi ne, %convert_element_type3A_200, %cond3A_201 : i32
      scf.if %cond3A_202 {
        %add3A_443 = arith.constant 6 : i32
        %add3A_444 = arith.addi %add3A_158, %add3A_443 : i32
        %mul3A_445 = arith.constant 80 : i32
        %mul3A_446 = arith.muli %add3A_444, %mul3A_445 : i32
        %add3A_447 = arith.addi %mul3A_2, %mul3A_446 : i32
        %dma_start3A_448 = arith.constant 0 : i32
        %dma_start3A_449 = tpu.memref_slice %arg2[%add3A_447, %dma_start3A_448] : memref<819200x128xf32, #tpu.memory_space<hbm>> -> memref<80x128xf32, #tpu.memory_space<hbm>>
        %dma_start3A_450 = arith.constant 0 : i32
        %dma_start3A_451 = tpu.memref_slice %arg2[%add3A_447, %dma_start3A_450] : memref<819200x128xf32, #tpu.memory_space<hbm>> -> memref<80x128xf32, #tpu.memory_space<hbm>>
        tpu.enqueue_dma source(%dma_start3A_451 : memref<80x128xf32, #tpu.memory_space<hbm>>) target(%arg6 : memref<80x128xf32, #tpu.memory_space<vmem>>) target_semaphore(%arg17 : memref<!tpu.dma_semaphore, #tpu.memory_space<semaphore_mem>>)
      } else {
      }
      %mul3A_203 = arith.constant 8 : i32
      %mul3A_204 = arith.muli %scan3A_60, %mul3A_203 : i32
      %add3A_205 = arith.constant 3 : i32
      %add3A_206 = arith.addi %mul3A_204, %add3A_205 : i32
      %mul3A_207 = arith.constant 80 : i32
      %mul3A_208 = arith.muli %add3A_206, %mul3A_207 : i32
      %add3A_209 = arith.addi %mul3A_2, %mul3A_208 : i32
      %dma_wait3A_210 = arith.constant 0 : i32
      %dma_wait3A_211 = tpu.memref_slice %arg2[%add3A_209, %dma_wait3A_210] : memref<819200x128xf32, #tpu.memory_space<hbm>> -> memref<80x128xf32, #tpu.memory_space<hbm>>
      %dma_wait3A_212 = arith.constant 0 : i32
      %dma_wait3A_213 = tpu.memref_slice %arg2[%add3A_209, %dma_wait3A_212] : memref<819200x128xf32, #tpu.memory_space<hbm>> -> memref<80x128xf32, #tpu.memory_space<hbm>>
      tpu.wait_dma2 semaphore(%arg20 : memref<!tpu.dma_semaphore, #tpu.memory_space<semaphore_mem>>) src(%dma_wait3A_213 : memref<80x128xf32, #tpu.memory_space<hbm>>) dst(%arg9 : memref<80x128xf32, #tpu.memory_space<vmem>>)
      %mul3A_214 = arith.constant 80 : i32
      %mul3A_215 = arith.muli %add3A_206, %mul3A_214 : i32
      %add3A_216 = arith.constant 0 : i32
      %add3A_217 = arith.addi %mul3A_215, %add3A_216 : i32
      %dma_start3A_218 = arith.constant 0 : i32
      %dma_start3A_219 = arith.constant 0 : i32
      %dma_start3A_220 = tpu.memref_slice %arg9[%dma_start3A_218, %dma_start3A_219] : memref<80x128xf32, #tpu.memory_space<vmem>> -> memref<80x128xf32, #tpu.memory_space<vmem>>
      %dma_start3A_221 = tpu.memref_slice %arg14[%add3A_217] : memref<25600xi32, #tpu.memory_space<vmem>> -> memref<80xi32, #tpu.memory_space<vmem>>
      %dma_start3A_222 = arith.constant 0 : i32
      %dma_start3A_223 = arith.constant 0 : i32
      %dma_start3A_224 = tpu.memref_slice %arg15[%dma_start3A_222, %dma_start3A_223] : memref<41x128xf32, #tpu.memory_space<vmem_shared>> -> memref<41x128xf32, #tpu.memory_space<vmem_shared>>
      tpu.enqueue_indirect_dma source(%dma_start3A_224 : memref<41x128xf32, #tpu.memory_space<vmem_shared>>) target(%dma_start3A_220 : memref<80x128xf32, #tpu.memory_space<vmem>>) offsets(%dma_start3A_221 : memref<80xi32, #tpu.memory_space<vmem>>) semaphore(%arg25 : memref<!tpu.dma_semaphore, #tpu.memory_space<semaphore_mem>>) {add = true}
      %dma_wait3A_225 = arith.constant 0 : i32
      %dma_wait3A_226 = arith.constant 0 : i32
      %dma_wait3A_227 = tpu.memref_slice %arg9[%dma_wait3A_225, %dma_wait3A_226] : memref<80x128xf32, #tpu.memory_space<vmem>> -> memref<80x128xf32, #tpu.memory_space<vmem>>
      %dma_wait3A_228 = tpu.memref_slice %arg14[%add3A_217] : memref<25600xi32, #tpu.memory_space<vmem>> -> memref<80xi32, #tpu.memory_space<vmem>>
      %dma_wait3A_229 = arith.constant 0 : i32
      %dma_wait3A_230 = arith.constant 0 : i32
      %dma_wait3A_231 = tpu.memref_slice %arg15[%dma_wait3A_229, %dma_wait3A_230] : memref<41x128xf32, #tpu.memory_space<vmem_shared>> -> memref<41x128xf32, #tpu.memory_space<vmem_shared>>
      tpu.wait_indirect_dma semaphore(%arg25 : memref<!tpu.dma_semaphore, #tpu.memory_space<semaphore_mem>>) src(%dma_wait3A_231 : memref<41x128xf32, #tpu.memory_space<vmem_shared>>) dst(%dma_wait3A_227 : memref<80x128xf32, #tpu.memory_space<vmem>>)
      %mul3A_232 = arith.constant 80 : i32
      %mul3A_233 = arith.muli %add3A_206, %mul3A_232 : i32
      %add3A_234 = arith.addi %mul3A_2, %mul3A_233 : i32
      %dma_start3A_235 = arith.constant 0 : i32
      %dma_start3A_236 = tpu.memref_slice %arg5[%add3A_234, %dma_start3A_235] : memref<819200x128xf32, #tpu.memory_space<hbm>> -> memref<80x128xf32, #tpu.memory_space<hbm>>
      %dma_start3A_237 = arith.constant 0 : i32
      %dma_start3A_238 = tpu.memref_slice %arg5[%add3A_234, %dma_start3A_237] : memref<819200x128xf32, #tpu.memory_space<hbm>> -> memref<80x128xf32, #tpu.memory_space<hbm>>
      tpu.enqueue_dma source(%arg9 : memref<80x128xf32, #tpu.memory_space<vmem>>) target(%dma_start3A_238 : memref<80x128xf32, #tpu.memory_space<hbm>>) target_semaphore(%arg29 : memref<!tpu.dma_semaphore, #tpu.memory_space<semaphore_mem>>)
      %ge3A_239 = arith.constant 2 : i32
      %ge3A_240 = arith.cmpi sge, %add3A_206, %ge3A_239 : i32
      %convert_element_type3A_241 = arith.extui %ge3A_240 : i1 to i32
      %cond3A_242 = arith.constant 0 : i32
      %cond3A_243 = arith.cmpi ne, %convert_element_type3A_241, %cond3A_242 : i32
      scf.if %cond3A_243 {
        %sub3A = arith.constant 2 : i32
        %sub3A_443 = arith.subi %add3A_206, %sub3A : i32
        %mul3A_444 = arith.constant 80 : i32
        %mul3A_445 = arith.muli %sub3A_443, %mul3A_444 : i32
        %add3A_446 = arith.addi %mul3A_2, %mul3A_445 : i32
        %dma_wait3A_447 = arith.constant 0 : i32
        %dma_wait3A_448 = tpu.memref_slice %arg5[%add3A_446, %dma_wait3A_447] : memref<819200x128xf32, #tpu.memory_space<hbm>> -> memref<80x128xf32, #tpu.memory_space<hbm>>
        %dma_wait3A_449 = arith.constant 0 : i32
        %dma_wait3A_450 = tpu.memref_slice %arg5[%add3A_446, %dma_wait3A_449] : memref<819200x128xf32, #tpu.memory_space<hbm>> -> memref<80x128xf32, #tpu.memory_space<hbm>>
        tpu.wait_dma2 semaphore(%arg27 : memref<!tpu.dma_semaphore, #tpu.memory_space<semaphore_mem>>) src(%arg7 : memref<80x128xf32, #tpu.memory_space<vmem>>) dst(%dma_wait3A_450 : memref<80x128xf32, #tpu.memory_space<hbm>>)
      } else {
      }
      %add3A_244 = arith.constant 6 : i32
      %add3A_245 = arith.addi %add3A_206, %add3A_244 : i32
      %lt3A_246 = arith.constant 320 : i32
      %lt3A_247 = arith.cmpi slt, %add3A_245, %lt3A_246 : i32
      %convert_element_type3A_248 = arith.extui %lt3A_247 : i1 to i32
      %cond3A_249 = arith.constant 0 : i32
      %cond3A_250 = arith.cmpi ne, %convert_element_type3A_248, %cond3A_249 : i32
      scf.if %cond3A_250 {
        %add3A_443 = arith.constant 6 : i32
        %add3A_444 = arith.addi %add3A_206, %add3A_443 : i32
        %mul3A_445 = arith.constant 80 : i32
        %mul3A_446 = arith.muli %add3A_444, %mul3A_445 : i32
        %add3A_447 = arith.addi %mul3A_2, %mul3A_446 : i32
        %dma_start3A_448 = arith.constant 0 : i32
        %dma_start3A_449 = tpu.memref_slice %arg2[%add3A_447, %dma_start3A_448] : memref<819200x128xf32, #tpu.memory_space<hbm>> -> memref<80x128xf32, #tpu.memory_space<hbm>>
        %dma_start3A_450 = arith.constant 0 : i32
        %dma_start3A_451 = tpu.memref_slice %arg2[%add3A_447, %dma_start3A_450] : memref<819200x128xf32, #tpu.memory_space<hbm>> -> memref<80x128xf32, #tpu.memory_space<hbm>>
        tpu.enqueue_dma source(%dma_start3A_451 : memref<80x128xf32, #tpu.memory_space<hbm>>) target(%arg7 : memref<80x128xf32, #tpu.memory_space<vmem>>) target_semaphore(%arg18 : memref<!tpu.dma_semaphore, #tpu.memory_space<semaphore_mem>>)
      } else {
      }
      %mul3A_251 = arith.constant 8 : i32
      %mul3A_252 = arith.muli %scan3A_60, %mul3A_251 : i32
      %add3A_253 = arith.constant 4 : i32
      %add3A_254 = arith.addi %mul3A_252, %add3A_253 : i32
      %mul3A_255 = arith.constant 80 : i32
      %mul3A_256 = arith.muli %add3A_254, %mul3A_255 : i32
      %add3A_257 = arith.addi %mul3A_2, %mul3A_256 : i32
      %dma_wait3A_258 = arith.constant 0 : i32
      %dma_wait3A_259 = tpu.memref_slice %arg2[%add3A_257, %dma_wait3A_258] : memref<819200x128xf32, #tpu.memory_space<hbm>> -> memref<80x128xf32, #tpu.memory_space<hbm>>
      %dma_wait3A_260 = arith.constant 0 : i32
      %dma_wait3A_261 = tpu.memref_slice %arg2[%add3A_257, %dma_wait3A_260] : memref<819200x128xf32, #tpu.memory_space<hbm>> -> memref<80x128xf32, #tpu.memory_space<hbm>>
      tpu.wait_dma2 semaphore(%arg21 : memref<!tpu.dma_semaphore, #tpu.memory_space<semaphore_mem>>) src(%dma_wait3A_261 : memref<80x128xf32, #tpu.memory_space<hbm>>) dst(%arg10 : memref<80x128xf32, #tpu.memory_space<vmem>>)
      %mul3A_262 = arith.constant 80 : i32
      %mul3A_263 = arith.muli %add3A_254, %mul3A_262 : i32
      %add3A_264 = arith.constant 0 : i32
      %add3A_265 = arith.addi %mul3A_263, %add3A_264 : i32
      %dma_start3A_266 = arith.constant 0 : i32
      %dma_start3A_267 = arith.constant 0 : i32
      %dma_start3A_268 = tpu.memref_slice %arg10[%dma_start3A_266, %dma_start3A_267] : memref<80x128xf32, #tpu.memory_space<vmem>> -> memref<80x128xf32, #tpu.memory_space<vmem>>
      %dma_start3A_269 = tpu.memref_slice %arg14[%add3A_265] : memref<25600xi32, #tpu.memory_space<vmem>> -> memref<80xi32, #tpu.memory_space<vmem>>
      %dma_start3A_270 = arith.constant 0 : i32
      %dma_start3A_271 = arith.constant 0 : i32
      %dma_start3A_272 = tpu.memref_slice %arg15[%dma_start3A_270, %dma_start3A_271] : memref<41x128xf32, #tpu.memory_space<vmem_shared>> -> memref<41x128xf32, #tpu.memory_space<vmem_shared>>
      tpu.enqueue_indirect_dma source(%dma_start3A_272 : memref<41x128xf32, #tpu.memory_space<vmem_shared>>) target(%dma_start3A_268 : memref<80x128xf32, #tpu.memory_space<vmem>>) offsets(%dma_start3A_269 : memref<80xi32, #tpu.memory_space<vmem>>) semaphore(%arg25 : memref<!tpu.dma_semaphore, #tpu.memory_space<semaphore_mem>>) {add = true}
      %dma_wait3A_273 = arith.constant 0 : i32
      %dma_wait3A_274 = arith.constant 0 : i32
      %dma_wait3A_275 = tpu.memref_slice %arg10[%dma_wait3A_273, %dma_wait3A_274] : memref<80x128xf32, #tpu.memory_space<vmem>> -> memref<80x128xf32, #tpu.memory_space<vmem>>
      %dma_wait3A_276 = tpu.memref_slice %arg14[%add3A_265] : memref<25600xi32, #tpu.memory_space<vmem>> -> memref<80xi32, #tpu.memory_space<vmem>>
      %dma_wait3A_277 = arith.constant 0 : i32
      %dma_wait3A_278 = arith.constant 0 : i32
      %dma_wait3A_279 = tpu.memref_slice %arg15[%dma_wait3A_277, %dma_wait3A_278] : memref<41x128xf32, #tpu.memory_space<vmem_shared>> -> memref<41x128xf32, #tpu.memory_space<vmem_shared>>
      tpu.wait_indirect_dma semaphore(%arg25 : memref<!tpu.dma_semaphore, #tpu.memory_space<semaphore_mem>>) src(%dma_wait3A_279 : memref<41x128xf32, #tpu.memory_space<vmem_shared>>) dst(%dma_wait3A_275 : memref<80x128xf32, #tpu.memory_space<vmem>>)
      %mul3A_280 = arith.constant 80 : i32
      %mul3A_281 = arith.muli %add3A_254, %mul3A_280 : i32
      %add3A_282 = arith.addi %mul3A_2, %mul3A_281 : i32
      %dma_start3A_283 = arith.constant 0 : i32
      %dma_start3A_284 = tpu.memref_slice %arg5[%add3A_282, %dma_start3A_283] : memref<819200x128xf32, #tpu.memory_space<hbm>> -> memref<80x128xf32, #tpu.memory_space<hbm>>
      %dma_start3A_285 = arith.constant 0 : i32
      %dma_start3A_286 = tpu.memref_slice %arg5[%add3A_282, %dma_start3A_285] : memref<819200x128xf32, #tpu.memory_space<hbm>> -> memref<80x128xf32, #tpu.memory_space<hbm>>
      tpu.enqueue_dma source(%arg10 : memref<80x128xf32, #tpu.memory_space<vmem>>) target(%dma_start3A_286 : memref<80x128xf32, #tpu.memory_space<hbm>>) target_semaphore(%arg30 : memref<!tpu.dma_semaphore, #tpu.memory_space<semaphore_mem>>)
      %ge3A_287 = arith.constant 2 : i32
      %ge3A_288 = arith.cmpi sge, %add3A_254, %ge3A_287 : i32
      %convert_element_type3A_289 = arith.extui %ge3A_288 : i1 to i32
      %cond3A_290 = arith.constant 0 : i32
      %cond3A_291 = arith.cmpi ne, %convert_element_type3A_289, %cond3A_290 : i32
      scf.if %cond3A_291 {
        %sub3A = arith.constant 2 : i32
        %sub3A_443 = arith.subi %add3A_254, %sub3A : i32
        %mul3A_444 = arith.constant 80 : i32
        %mul3A_445 = arith.muli %sub3A_443, %mul3A_444 : i32
        %add3A_446 = arith.addi %mul3A_2, %mul3A_445 : i32
        %dma_wait3A_447 = arith.constant 0 : i32
        %dma_wait3A_448 = tpu.memref_slice %arg5[%add3A_446, %dma_wait3A_447] : memref<819200x128xf32, #tpu.memory_space<hbm>> -> memref<80x128xf32, #tpu.memory_space<hbm>>
        %dma_wait3A_449 = arith.constant 0 : i32
        %dma_wait3A_450 = tpu.memref_slice %arg5[%add3A_446, %dma_wait3A_449] : memref<819200x128xf32, #tpu.memory_space<hbm>> -> memref<80x128xf32, #tpu.memory_space<hbm>>
        tpu.wait_dma2 semaphore(%arg28 : memref<!tpu.dma_semaphore, #tpu.memory_space<semaphore_mem>>) src(%arg8 : memref<80x128xf32, #tpu.memory_space<vmem>>) dst(%dma_wait3A_450 : memref<80x128xf32, #tpu.memory_space<hbm>>)
      } else {
      }
      %add3A_292 = arith.constant 6 : i32
      %add3A_293 = arith.addi %add3A_254, %add3A_292 : i32
      %lt3A_294 = arith.constant 320 : i32
      %lt3A_295 = arith.cmpi slt, %add3A_293, %lt3A_294 : i32
      %convert_element_type3A_296 = arith.extui %lt3A_295 : i1 to i32
      %cond3A_297 = arith.constant 0 : i32
      %cond3A_298 = arith.cmpi ne, %convert_element_type3A_296, %cond3A_297 : i32
      scf.if %cond3A_298 {
        %add3A_443 = arith.constant 6 : i32
        %add3A_444 = arith.addi %add3A_254, %add3A_443 : i32
        %mul3A_445 = arith.constant 80 : i32
        %mul3A_446 = arith.muli %add3A_444, %mul3A_445 : i32
        %add3A_447 = arith.addi %mul3A_2, %mul3A_446 : i32
        %dma_start3A_448 = arith.constant 0 : i32
        %dma_start3A_449 = tpu.memref_slice %arg2[%add3A_447, %dma_start3A_448] : memref<819200x128xf32, #tpu.memory_space<hbm>> -> memref<80x128xf32, #tpu.memory_space<hbm>>
        %dma_start3A_450 = arith.constant 0 : i32
        %dma_start3A_451 = tpu.memref_slice %arg2[%add3A_447, %dma_start3A_450] : memref<819200x128xf32, #tpu.memory_space<hbm>> -> memref<80x128xf32, #tpu.memory_space<hbm>>
        tpu.enqueue_dma source(%dma_start3A_451 : memref<80x128xf32, #tpu.memory_space<hbm>>) target(%arg8 : memref<80x128xf32, #tpu.memory_space<vmem>>) target_semaphore(%arg19 : memref<!tpu.dma_semaphore, #tpu.memory_space<semaphore_mem>>)
      } else {
      }
      %mul3A_299 = arith.constant 8 : i32
      %mul3A_300 = arith.muli %scan3A_60, %mul3A_299 : i32
      %add3A_301 = arith.constant 5 : i32
      %add3A_302 = arith.addi %mul3A_300, %add3A_301 : i32
      %mul3A_303 = arith.constant 80 : i32
      %mul3A_304 = arith.muli %add3A_302, %mul3A_303 : i32
      %add3A_305 = arith.addi %mul3A_2, %mul3A_304 : i32
      %dma_wait3A_306 = arith.constant 0 : i32
      %dma_wait3A_307 = tpu.memref_slice %arg2[%add3A_305, %dma_wait3A_306] : memref<819200x128xf32, #tpu.memory_space<hbm>> -> memref<80x128xf32, #tpu.memory_space<hbm>>
      %dma_wait3A_308 = arith.constant 0 : i32
      %dma_wait3A_309 = tpu.memref_slice %arg2[%add3A_305, %dma_wait3A_308] : memref<819200x128xf32, #tpu.memory_space<hbm>> -> memref<80x128xf32, #tpu.memory_space<hbm>>
      tpu.wait_dma2 semaphore(%arg22 : memref<!tpu.dma_semaphore, #tpu.memory_space<semaphore_mem>>) src(%dma_wait3A_309 : memref<80x128xf32, #tpu.memory_space<hbm>>) dst(%arg11 : memref<80x128xf32, #tpu.memory_space<vmem>>)
      %mul3A_310 = arith.constant 80 : i32
      %mul3A_311 = arith.muli %add3A_302, %mul3A_310 : i32
      %add3A_312 = arith.constant 0 : i32
      %add3A_313 = arith.addi %mul3A_311, %add3A_312 : i32
      %dma_start3A_314 = arith.constant 0 : i32
      %dma_start3A_315 = arith.constant 0 : i32
      %dma_start3A_316 = tpu.memref_slice %arg11[%dma_start3A_314, %dma_start3A_315] : memref<80x128xf32, #tpu.memory_space<vmem>> -> memref<80x128xf32, #tpu.memory_space<vmem>>
      %dma_start3A_317 = tpu.memref_slice %arg14[%add3A_313] : memref<25600xi32, #tpu.memory_space<vmem>> -> memref<80xi32, #tpu.memory_space<vmem>>
      %dma_start3A_318 = arith.constant 0 : i32
      %dma_start3A_319 = arith.constant 0 : i32
      %dma_start3A_320 = tpu.memref_slice %arg15[%dma_start3A_318, %dma_start3A_319] : memref<41x128xf32, #tpu.memory_space<vmem_shared>> -> memref<41x128xf32, #tpu.memory_space<vmem_shared>>
      tpu.enqueue_indirect_dma source(%dma_start3A_320 : memref<41x128xf32, #tpu.memory_space<vmem_shared>>) target(%dma_start3A_316 : memref<80x128xf32, #tpu.memory_space<vmem>>) offsets(%dma_start3A_317 : memref<80xi32, #tpu.memory_space<vmem>>) semaphore(%arg25 : memref<!tpu.dma_semaphore, #tpu.memory_space<semaphore_mem>>) {add = true}
      %dma_wait3A_321 = arith.constant 0 : i32
      %dma_wait3A_322 = arith.constant 0 : i32
      %dma_wait3A_323 = tpu.memref_slice %arg11[%dma_wait3A_321, %dma_wait3A_322] : memref<80x128xf32, #tpu.memory_space<vmem>> -> memref<80x128xf32, #tpu.memory_space<vmem>>
      %dma_wait3A_324 = tpu.memref_slice %arg14[%add3A_313] : memref<25600xi32, #tpu.memory_space<vmem>> -> memref<80xi32, #tpu.memory_space<vmem>>
      %dma_wait3A_325 = arith.constant 0 : i32
      %dma_wait3A_326 = arith.constant 0 : i32
      %dma_wait3A_327 = tpu.memref_slice %arg15[%dma_wait3A_325, %dma_wait3A_326] : memref<41x128xf32, #tpu.memory_space<vmem_shared>> -> memref<41x128xf32, #tpu.memory_space<vmem_shared>>
      tpu.wait_indirect_dma semaphore(%arg25 : memref<!tpu.dma_semaphore, #tpu.memory_space<semaphore_mem>>) src(%dma_wait3A_327 : memref<41x128xf32, #tpu.memory_space<vmem_shared>>) dst(%dma_wait3A_323 : memref<80x128xf32, #tpu.memory_space<vmem>>)
      %mul3A_328 = arith.constant 80 : i32
      %mul3A_329 = arith.muli %add3A_302, %mul3A_328 : i32
      %add3A_330 = arith.addi %mul3A_2, %mul3A_329 : i32
      %dma_start3A_331 = arith.constant 0 : i32
      %dma_start3A_332 = tpu.memref_slice %arg5[%add3A_330, %dma_start3A_331] : memref<819200x128xf32, #tpu.memory_space<hbm>> -> memref<80x128xf32, #tpu.memory_space<hbm>>
      %dma_start3A_333 = arith.constant 0 : i32
      %dma_start3A_334 = tpu.memref_slice %arg5[%add3A_330, %dma_start3A_333] : memref<819200x128xf32, #tpu.memory_space<hbm>> -> memref<80x128xf32, #tpu.memory_space<hbm>>
      tpu.enqueue_dma source(%arg11 : memref<80x128xf32, #tpu.memory_space<vmem>>) target(%dma_start3A_334 : memref<80x128xf32, #tpu.memory_space<hbm>>) target_semaphore(%arg31 : memref<!tpu.dma_semaphore, #tpu.memory_space<semaphore_mem>>)
      %ge3A_335 = arith.constant 2 : i32
      %ge3A_336 = arith.cmpi sge, %add3A_302, %ge3A_335 : i32
      %convert_element_type3A_337 = arith.extui %ge3A_336 : i1 to i32
      %cond3A_338 = arith.constant 0 : i32
      %cond3A_339 = arith.cmpi ne, %convert_element_type3A_337, %cond3A_338 : i32
      scf.if %cond3A_339 {
        %sub3A = arith.constant 2 : i32
        %sub3A_443 = arith.subi %add3A_302, %sub3A : i32
        %mul3A_444 = arith.constant 80 : i32
        %mul3A_445 = arith.muli %sub3A_443, %mul3A_444 : i32
        %add3A_446 = arith.addi %mul3A_2, %mul3A_445 : i32
        %dma_wait3A_447 = arith.constant 0 : i32
        %dma_wait3A_448 = tpu.memref_slice %arg5[%add3A_446, %dma_wait3A_447] : memref<819200x128xf32, #tpu.memory_space<hbm>> -> memref<80x128xf32, #tpu.memory_space<hbm>>
        %dma_wait3A_449 = arith.constant 0 : i32
        %dma_wait3A_450 = tpu.memref_slice %arg5[%add3A_446, %dma_wait3A_449] : memref<819200x128xf32, #tpu.memory_space<hbm>> -> memref<80x128xf32, #tpu.memory_space<hbm>>
        tpu.wait_dma2 semaphore(%arg29 : memref<!tpu.dma_semaphore, #tpu.memory_space<semaphore_mem>>) src(%arg9 : memref<80x128xf32, #tpu.memory_space<vmem>>) dst(%dma_wait3A_450 : memref<80x128xf32, #tpu.memory_space<hbm>>)
      } else {
      }
      %add3A_340 = arith.constant 6 : i32
      %add3A_341 = arith.addi %add3A_302, %add3A_340 : i32
      %lt3A_342 = arith.constant 320 : i32
      %lt3A_343 = arith.cmpi slt, %add3A_341, %lt3A_342 : i32
      %convert_element_type3A_344 = arith.extui %lt3A_343 : i1 to i32
      %cond3A_345 = arith.constant 0 : i32
      %cond3A_346 = arith.cmpi ne, %convert_element_type3A_344, %cond3A_345 : i32
      scf.if %cond3A_346 {
        %add3A_443 = arith.constant 6 : i32
        %add3A_444 = arith.addi %add3A_302, %add3A_443 : i32
        %mul3A_445 = arith.constant 80 : i32
        %mul3A_446 = arith.muli %add3A_444, %mul3A_445 : i32
        %add3A_447 = arith.addi %mul3A_2, %mul3A_446 : i32
        %dma_start3A_448 = arith.constant 0 : i32
        %dma_start3A_449 = tpu.memref_slice %arg2[%add3A_447, %dma_start3A_448] : memref<819200x128xf32, #tpu.memory_space<hbm>> -> memref<80x128xf32, #tpu.memory_space<hbm>>
        %dma_start3A_450 = arith.constant 0 : i32
        %dma_start3A_451 = tpu.memref_slice %arg2[%add3A_447, %dma_start3A_450] : memref<819200x128xf32, #tpu.memory_space<hbm>> -> memref<80x128xf32, #tpu.memory_space<hbm>>
        tpu.enqueue_dma source(%dma_start3A_451 : memref<80x128xf32, #tpu.memory_space<hbm>>) target(%arg9 : memref<80x128xf32, #tpu.memory_space<vmem>>) target_semaphore(%arg20 : memref<!tpu.dma_semaphore, #tpu.memory_space<semaphore_mem>>)
      } else {
      }
      %mul3A_347 = arith.constant 8 : i32
      %mul3A_348 = arith.muli %scan3A_60, %mul3A_347 : i32
      %add3A_349 = arith.constant 6 : i32
      %add3A_350 = arith.addi %mul3A_348, %add3A_349 : i32
      %mul3A_351 = arith.constant 80 : i32
      %mul3A_352 = arith.muli %add3A_350, %mul3A_351 : i32
      %add3A_353 = arith.addi %mul3A_2, %mul3A_352 : i32
      %dma_wait3A_354 = arith.constant 0 : i32
      %dma_wait3A_355 = tpu.memref_slice %arg2[%add3A_353, %dma_wait3A_354] : memref<819200x128xf32, #tpu.memory_space<hbm>> -> memref<80x128xf32, #tpu.memory_space<hbm>>
      %dma_wait3A_356 = arith.constant 0 : i32
      %dma_wait3A_357 = tpu.memref_slice %arg2[%add3A_353, %dma_wait3A_356] : memref<819200x128xf32, #tpu.memory_space<hbm>> -> memref<80x128xf32, #tpu.memory_space<hbm>>
      tpu.wait_dma2 semaphore(%arg23 : memref<!tpu.dma_semaphore, #tpu.memory_space<semaphore_mem>>) src(%dma_wait3A_357 : memref<80x128xf32, #tpu.memory_space<hbm>>) dst(%arg12 : memref<80x128xf32, #tpu.memory_space<vmem>>)
      %mul3A_358 = arith.constant 80 : i32
      %mul3A_359 = arith.muli %add3A_350, %mul3A_358 : i32
      %add3A_360 = arith.constant 0 : i32
      %add3A_361 = arith.addi %mul3A_359, %add3A_360 : i32
      %dma_start3A_362 = arith.constant 0 : i32
      %dma_start3A_363 = arith.constant 0 : i32
      %dma_start3A_364 = tpu.memref_slice %arg12[%dma_start3A_362, %dma_start3A_363] : memref<80x128xf32, #tpu.memory_space<vmem>> -> memref<80x128xf32, #tpu.memory_space<vmem>>
      %dma_start3A_365 = tpu.memref_slice %arg14[%add3A_361] : memref<25600xi32, #tpu.memory_space<vmem>> -> memref<80xi32, #tpu.memory_space<vmem>>
      %dma_start3A_366 = arith.constant 0 : i32
      %dma_start3A_367 = arith.constant 0 : i32
      %dma_start3A_368 = tpu.memref_slice %arg15[%dma_start3A_366, %dma_start3A_367] : memref<41x128xf32, #tpu.memory_space<vmem_shared>> -> memref<41x128xf32, #tpu.memory_space<vmem_shared>>
      tpu.enqueue_indirect_dma source(%dma_start3A_368 : memref<41x128xf32, #tpu.memory_space<vmem_shared>>) target(%dma_start3A_364 : memref<80x128xf32, #tpu.memory_space<vmem>>) offsets(%dma_start3A_365 : memref<80xi32, #tpu.memory_space<vmem>>) semaphore(%arg25 : memref<!tpu.dma_semaphore, #tpu.memory_space<semaphore_mem>>) {add = true}
      %dma_wait3A_369 = arith.constant 0 : i32
      %dma_wait3A_370 = arith.constant 0 : i32
      %dma_wait3A_371 = tpu.memref_slice %arg12[%dma_wait3A_369, %dma_wait3A_370] : memref<80x128xf32, #tpu.memory_space<vmem>> -> memref<80x128xf32, #tpu.memory_space<vmem>>
      %dma_wait3A_372 = tpu.memref_slice %arg14[%add3A_361] : memref<25600xi32, #tpu.memory_space<vmem>> -> memref<80xi32, #tpu.memory_space<vmem>>
      %dma_wait3A_373 = arith.constant 0 : i32
      %dma_wait3A_374 = arith.constant 0 : i32
      %dma_wait3A_375 = tpu.memref_slice %arg15[%dma_wait3A_373, %dma_wait3A_374] : memref<41x128xf32, #tpu.memory_space<vmem_shared>> -> memref<41x128xf32, #tpu.memory_space<vmem_shared>>
      tpu.wait_indirect_dma semaphore(%arg25 : memref<!tpu.dma_semaphore, #tpu.memory_space<semaphore_mem>>) src(%dma_wait3A_375 : memref<41x128xf32, #tpu.memory_space<vmem_shared>>) dst(%dma_wait3A_371 : memref<80x128xf32, #tpu.memory_space<vmem>>)
      %mul3A_376 = arith.constant 80 : i32
      %mul3A_377 = arith.muli %add3A_350, %mul3A_376 : i32
      %add3A_378 = arith.addi %mul3A_2, %mul3A_377 : i32
      %dma_start3A_379 = arith.constant 0 : i32
      %dma_start3A_380 = tpu.memref_slice %arg5[%add3A_378, %dma_start3A_379] : memref<819200x128xf32, #tpu.memory_space<hbm>> -> memref<80x128xf32, #tpu.memory_space<hbm>>
      %dma_start3A_381 = arith.constant 0 : i32
      %dma_start3A_382 = tpu.memref_slice %arg5[%add3A_378, %dma_start3A_381] : memref<819200x128xf32, #tpu.memory_space<hbm>> -> memref<80x128xf32, #tpu.memory_space<hbm>>
      tpu.enqueue_dma source(%arg12 : memref<80x128xf32, #tpu.memory_space<vmem>>) target(%dma_start3A_382 : memref<80x128xf32, #tpu.memory_space<hbm>>) target_semaphore(%arg32 : memref<!tpu.dma_semaphore, #tpu.memory_space<semaphore_mem>>)
      %ge3A_383 = arith.constant 2 : i32
      %ge3A_384 = arith.cmpi sge, %add3A_350, %ge3A_383 : i32
      %convert_element_type3A_385 = arith.extui %ge3A_384 : i1 to i32
      %cond3A_386 = arith.constant 0 : i32
      %cond3A_387 = arith.cmpi ne, %convert_element_type3A_385, %cond3A_386 : i32
      scf.if %cond3A_387 {
        %sub3A = arith.constant 2 : i32
        %sub3A_443 = arith.subi %add3A_350, %sub3A : i32
        %mul3A_444 = arith.constant 80 : i32
        %mul3A_445 = arith.muli %sub3A_443, %mul3A_444 : i32
        %add3A_446 = arith.addi %mul3A_2, %mul3A_445 : i32
        %dma_wait3A_447 = arith.constant 0 : i32
        %dma_wait3A_448 = tpu.memref_slice %arg5[%add3A_446, %dma_wait3A_447] : memref<819200x128xf32, #tpu.memory_space<hbm>> -> memref<80x128xf32, #tpu.memory_space<hbm>>
        %dma_wait3A_449 = arith.constant 0 : i32
        %dma_wait3A_450 = tpu.memref_slice %arg5[%add3A_446, %dma_wait3A_449] : memref<819200x128xf32, #tpu.memory_space<hbm>> -> memref<80x128xf32, #tpu.memory_space<hbm>>
        tpu.wait_dma2 semaphore(%arg30 : memref<!tpu.dma_semaphore, #tpu.memory_space<semaphore_mem>>) src(%arg10 : memref<80x128xf32, #tpu.memory_space<vmem>>) dst(%dma_wait3A_450 : memref<80x128xf32, #tpu.memory_space<hbm>>)
      } else {
      }
      %add3A_388 = arith.constant 6 : i32
      %add3A_389 = arith.addi %add3A_350, %add3A_388 : i32
      %lt3A_390 = arith.constant 320 : i32
      %lt3A_391 = arith.cmpi slt, %add3A_389, %lt3A_390 : i32
      %convert_element_type3A_392 = arith.extui %lt3A_391 : i1 to i32
      %cond3A_393 = arith.constant 0 : i32
      %cond3A_394 = arith.cmpi ne, %convert_element_type3A_392, %cond3A_393 : i32
      scf.if %cond3A_394 {
        %add3A_443 = arith.constant 6 : i32
        %add3A_444 = arith.addi %add3A_350, %add3A_443 : i32
        %mul3A_445 = arith.constant 80 : i32
        %mul3A_446 = arith.muli %add3A_444, %mul3A_445 : i32
        %add3A_447 = arith.addi %mul3A_2, %mul3A_446 : i32
        %dma_start3A_448 = arith.constant 0 : i32
        %dma_start3A_449 = tpu.memref_slice %arg2[%add3A_447, %dma_start3A_448] : memref<819200x128xf32, #tpu.memory_space<hbm>> -> memref<80x128xf32, #tpu.memory_space<hbm>>
        %dma_start3A_450 = arith.constant 0 : i32
        %dma_start3A_451 = tpu.memref_slice %arg2[%add3A_447, %dma_start3A_450] : memref<819200x128xf32, #tpu.memory_space<hbm>> -> memref<80x128xf32, #tpu.memory_space<hbm>>
        tpu.enqueue_dma source(%dma_start3A_451 : memref<80x128xf32, #tpu.memory_space<hbm>>) target(%arg10 : memref<80x128xf32, #tpu.memory_space<vmem>>) target_semaphore(%arg21 : memref<!tpu.dma_semaphore, #tpu.memory_space<semaphore_mem>>)
      } else {
      }
      %mul3A_395 = arith.constant 8 : i32
      %mul3A_396 = arith.muli %scan3A_60, %mul3A_395 : i32
      %add3A_397 = arith.constant 7 : i32
      %add3A_398 = arith.addi %mul3A_396, %add3A_397 : i32
      %mul3A_399 = arith.constant 80 : i32
      %mul3A_400 = arith.muli %add3A_398, %mul3A_399 : i32
      %add3A_401 = arith.addi %mul3A_2, %mul3A_400 : i32
      %dma_wait3A_402 = arith.constant 0 : i32
      %dma_wait3A_403 = tpu.memref_slice %arg2[%add3A_401, %dma_wait3A_402] : memref<819200x128xf32, #tpu.memory_space<hbm>> -> memref<80x128xf32, #tpu.memory_space<hbm>>
      %dma_wait3A_404 = arith.constant 0 : i32
      %dma_wait3A_405 = tpu.memref_slice %arg2[%add3A_401, %dma_wait3A_404] : memref<819200x128xf32, #tpu.memory_space<hbm>> -> memref<80x128xf32, #tpu.memory_space<hbm>>
      tpu.wait_dma2 semaphore(%arg24 : memref<!tpu.dma_semaphore, #tpu.memory_space<semaphore_mem>>) src(%dma_wait3A_405 : memref<80x128xf32, #tpu.memory_space<hbm>>) dst(%arg13 : memref<80x128xf32, #tpu.memory_space<vmem>>)
      %mul3A_406 = arith.constant 80 : i32
      %mul3A_407 = arith.muli %add3A_398, %mul3A_406 : i32
      %add3A_408 = arith.constant 0 : i32
      %add3A_409 = arith.addi %mul3A_407, %add3A_408 : i32
      %dma_start3A_410 = arith.constant 0 : i32
      %dma_start3A_411 = arith.constant 0 : i32
      %dma_start3A_412 = tpu.memref_slice %arg13[%dma_start3A_410, %dma_start3A_411] : memref<80x128xf32, #tpu.memory_space<vmem>> -> memref<80x128xf32, #tpu.memory_space<vmem>>
      %dma_start3A_413 = tpu.memref_slice %arg14[%add3A_409] : memref<25600xi32, #tpu.memory_space<vmem>> -> memref<80xi32, #tpu.memory_space<vmem>>
      %dma_start3A_414 = arith.constant 0 : i32
      %dma_start3A_415 = arith.constant 0 : i32
      %dma_start3A_416 = tpu.memref_slice %arg15[%dma_start3A_414, %dma_start3A_415] : memref<41x128xf32, #tpu.memory_space<vmem_shared>> -> memref<41x128xf32, #tpu.memory_space<vmem_shared>>
      tpu.enqueue_indirect_dma source(%dma_start3A_416 : memref<41x128xf32, #tpu.memory_space<vmem_shared>>) target(%dma_start3A_412 : memref<80x128xf32, #tpu.memory_space<vmem>>) offsets(%dma_start3A_413 : memref<80xi32, #tpu.memory_space<vmem>>) semaphore(%arg25 : memref<!tpu.dma_semaphore, #tpu.memory_space<semaphore_mem>>) {add = true}
      %dma_wait3A_417 = arith.constant 0 : i32
      %dma_wait3A_418 = arith.constant 0 : i32
      %dma_wait3A_419 = tpu.memref_slice %arg13[%dma_wait3A_417, %dma_wait3A_418] : memref<80x128xf32, #tpu.memory_space<vmem>> -> memref<80x128xf32, #tpu.memory_space<vmem>>
      %dma_wait3A_420 = tpu.memref_slice %arg14[%add3A_409] : memref<25600xi32, #tpu.memory_space<vmem>> -> memref<80xi32, #tpu.memory_space<vmem>>
      %dma_wait3A_421 = arith.constant 0 : i32
      %dma_wait3A_422 = arith.constant 0 : i32
      %dma_wait3A_423 = tpu.memref_slice %arg15[%dma_wait3A_421, %dma_wait3A_422] : memref<41x128xf32, #tpu.memory_space<vmem_shared>> -> memref<41x128xf32, #tpu.memory_space<vmem_shared>>
      tpu.wait_indirect_dma semaphore(%arg25 : memref<!tpu.dma_semaphore, #tpu.memory_space<semaphore_mem>>) src(%dma_wait3A_423 : memref<41x128xf32, #tpu.memory_space<vmem_shared>>) dst(%dma_wait3A_419 : memref<80x128xf32, #tpu.memory_space<vmem>>)
      %mul3A_424 = arith.constant 80 : i32
      %mul3A_425 = arith.muli %add3A_398, %mul3A_424 : i32
      %add3A_426 = arith.addi %mul3A_2, %mul3A_425 : i32
      %dma_start3A_427 = arith.constant 0 : i32
      %dma_start3A_428 = tpu.memref_slice %arg5[%add3A_426, %dma_start3A_427] : memref<819200x128xf32, #tpu.memory_space<hbm>> -> memref<80x128xf32, #tpu.memory_space<hbm>>
      %dma_start3A_429 = arith.constant 0 : i32
      %dma_start3A_430 = tpu.memref_slice %arg5[%add3A_426, %dma_start3A_429] : memref<819200x128xf32, #tpu.memory_space<hbm>> -> memref<80x128xf32, #tpu.memory_space<hbm>>
      tpu.enqueue_dma source(%arg13 : memref<80x128xf32, #tpu.memory_space<vmem>>) target(%dma_start3A_430 : memref<80x128xf32, #tpu.memory_space<hbm>>) target_semaphore(%arg33 : memref<!tpu.dma_semaphore, #tpu.memory_space<semaphore_mem>>)
      %ge3A_431 = arith.constant 2 : i32
      %ge3A_432 = arith.cmpi sge, %add3A_398, %ge3A_431 : i32
      %convert_element_type3A_433 = arith.extui %ge3A_432 : i1 to i32
      %cond3A_434 = arith.constant 0 : i32
      %cond3A_435 = arith.cmpi ne, %convert_element_type3A_433, %cond3A_434 : i32
      scf.if %cond3A_435 {
        %sub3A = arith.constant 2 : i32
        %sub3A_443 = arith.subi %add3A_398, %sub3A : i32
        %mul3A_444 = arith.constant 80 : i32
        %mul3A_445 = arith.muli %sub3A_443, %mul3A_444 : i32
        %add3A_446 = arith.addi %mul3A_2, %mul3A_445 : i32
        %dma_wait3A_447 = arith.constant 0 : i32
        %dma_wait3A_448 = tpu.memref_slice %arg5[%add3A_446, %dma_wait3A_447] : memref<819200x128xf32, #tpu.memory_space<hbm>> -> memref<80x128xf32, #tpu.memory_space<hbm>>
        %dma_wait3A_449 = arith.constant 0 : i32
        %dma_wait3A_450 = tpu.memref_slice %arg5[%add3A_446, %dma_wait3A_449] : memref<819200x128xf32, #tpu.memory_space<hbm>> -> memref<80x128xf32, #tpu.memory_space<hbm>>
        tpu.wait_dma2 semaphore(%arg31 : memref<!tpu.dma_semaphore, #tpu.memory_space<semaphore_mem>>) src(%arg11 : memref<80x128xf32, #tpu.memory_space<vmem>>) dst(%dma_wait3A_450 : memref<80x128xf32, #tpu.memory_space<hbm>>)
      } else {
      }
      %add3A_436 = arith.constant 6 : i32
      %add3A_437 = arith.addi %add3A_398, %add3A_436 : i32
      %lt3A_438 = arith.constant 320 : i32
      %lt3A_439 = arith.cmpi slt, %add3A_437, %lt3A_438 : i32
      %convert_element_type3A_440 = arith.extui %lt3A_439 : i1 to i32
      %cond3A_441 = arith.constant 0 : i32
      %cond3A_442 = arith.cmpi ne, %convert_element_type3A_440, %cond3A_441 : i32
      scf.if %cond3A_442 {
        %add3A_443 = arith.constant 6 : i32
        %add3A_444 = arith.addi %add3A_398, %add3A_443 : i32
        %mul3A_445 = arith.constant 80 : i32
        %mul3A_446 = arith.muli %add3A_444, %mul3A_445 : i32
        %add3A_447 = arith.addi %mul3A_2, %mul3A_446 : i32
        %dma_start3A_448 = arith.constant 0 : i32
        %dma_start3A_449 = tpu.memref_slice %arg2[%add3A_447, %dma_start3A_448] : memref<819200x128xf32, #tpu.memory_space<hbm>> -> memref<80x128xf32, #tpu.memory_space<hbm>>
        %dma_start3A_450 = arith.constant 0 : i32
        %dma_start3A_451 = tpu.memref_slice %arg2[%add3A_447, %dma_start3A_450] : memref<819200x128xf32, #tpu.memory_space<hbm>> -> memref<80x128xf32, #tpu.memory_space<hbm>>
        tpu.enqueue_dma source(%dma_start3A_451 : memref<80x128xf32, #tpu.memory_space<hbm>>) target(%arg11 : memref<80x128xf32, #tpu.memory_space<vmem>>) target_semaphore(%arg22 : memref<!tpu.dma_semaphore, #tpu.memory_space<semaphore_mem>>)
      } else {
      }
    }
    %scan3A_47 = arith.constant 40 : i32
    %add3A_48 = arith.constant 25440 : i32
    %add3A_49 = arith.addi %mul3A_2, %add3A_48 : i32
    %dma_wait3A_50 = arith.constant 0 : i32
    %dma_wait3A_51 = tpu.memref_slice %arg5[%add3A_49, %dma_wait3A_50] : memref<819200x128xf32, #tpu.memory_space<hbm>> -> memref<80x128xf32, #tpu.memory_space<hbm>>
    %dma_wait3A_52 = arith.constant 0 : i32
    %dma_wait3A_53 = tpu.memref_slice %arg5[%add3A_49, %dma_wait3A_52] : memref<819200x128xf32, #tpu.memory_space<hbm>> -> memref<80x128xf32, #tpu.memory_space<hbm>>
    tpu.wait_dma2 semaphore(%arg32 : memref<!tpu.dma_semaphore, #tpu.memory_space<semaphore_mem>>) src(%arg12 : memref<80x128xf32, #tpu.memory_space<vmem>>) dst(%dma_wait3A_53 : memref<80x128xf32, #tpu.memory_space<hbm>>)
    %add3A_54 = arith.constant 25520 : i32
    %add3A_55 = arith.addi %mul3A_2, %add3A_54 : i32
    %dma_wait3A_56 = arith.constant 0 : i32
    %dma_wait3A_57 = tpu.memref_slice %arg5[%add3A_55, %dma_wait3A_56] : memref<819200x128xf32, #tpu.memory_space<hbm>> -> memref<80x128xf32, #tpu.memory_space<hbm>>
    %dma_wait3A_58 = arith.constant 0 : i32
    %dma_wait3A_59 = tpu.memref_slice %arg5[%add3A_55, %dma_wait3A_58] : memref<819200x128xf32, #tpu.memory_space<hbm>> -> memref<80x128xf32, #tpu.memory_space<hbm>>
    tpu.wait_dma2 semaphore(%arg33 : memref<!tpu.dma_semaphore, #tpu.memory_space<semaphore_mem>>) src(%arg13 : memref<80x128xf32, #tpu.memory_space<vmem>>) dst(%dma_wait3A_59 : memref<80x128xf32, #tpu.memory_space<hbm>>)
    return
  }
}

</mosaic_0001>

<sc_bundles>
// kernel: kernel.3.cloned.1.call-start
scs
__scs_entry_jumppad:
0x0: {  	(pc) =	sbr.rel $0x88, $3  }
0x1: {  	(tag) =	ssettag $0x0;
	lr =	simm.s32 $0x1  }
0x2: {  	[smem:$0x3F9E] =	sst lr;
	_ =	strace $0xD0000000  }
0x3: {  	_ = 	snop  }
0x4: {  	_ = 	snop  }
0x5: {  	_ = 	snop  }
0x6: {  	_ = 	snop  }
0x7: {  	_ = 	snop  }
__scs_overlays_trampoline_lowered:
0x8: {  	[smem:$0x3FAD] =	sst s0  }
0x9: {  	[smem:$0x3FAE] =	sst s1  }
0xa: {  	[smem:$0x3FAF] =	sst s2  }
0xb: {  	[smem:$0x3FB0] =	sst s3  }
0xc: {  	[smem:$0x3FB1] =	sst s4  }
0xd: {  	[smem:$0x3FB2] =	sst s5  }
0xe: {  	[smem:$0x3FB3] =	sst s6  }
0xf: {  	[smem:$0x3FB4] =	sst s7  }
0x10: {  	[smem:$0x3FB5] =	sst s8  }
0x11: {  	[smem:$0x3FB6] =	sst s9;
	s0 =	simm.s32 @!p0 $0x0  }
0x12: {  	s1 =	sld [smem:$0x3F9C];
	s0 =	simm.s32 @p0 $0x1  }
0x13: {  	[smem:$0x3FB7] =	sst s0;
	s0 =	simm.s32 @!p1 $0x0  }
0x14: {  	s2 =	sld [smem:$0x3F9B];
	s0 =	simm.s32 @p1 $0x1  }
0x15: {  	[smem:$0x3FB8] =	sst s0;
	s0 =	simm.s32 @!p2 $0x0  }
0x16: {  	s3 =	sld [smem:$0x3FDB];
	s0 =	simm.s32 @p2 $0x1  }
0x17: {  	s4 =	simm.s32 $0x1BF5;
	[smem:$0x3FBA] =	sst s0  }
0x18: {  	s0 =	sld [smem:$0x3F9D];
	_ =	swait.ge [sflag:s4], $0x0  }
0x19: {  	s7 =	sld [smem:$0x3F9E]  }
0x1a: {  	s8 =	sadd.s32 $0xFFFFE003, lr  }
0x1b: {  	s9 =	sadd.s32 $0xFFFFFEF7, lr;
	s5 =	simm.s32 $0xFFFFFFFF;
	p2 =	slt.u32 s8, $0xFFFFF086  }
0x1c: {  	p1 =	slt.u32 s9, $0xF7A;
	s5 =	simm.s32 @!p2 $0x0  }
0x1d: {  	s5 =	simm.s32 @p1 $0x1;
	p0 =	seq.s32 s7, s2  }
0x1e: {  	s7 =	smul.u32 @!p0 $0xF7A, s2;
	p2 =	seq.s32 @!p0 s5, $0x0  }
0x1f: {  	s9 =	smul.u32 $0xF7A, s1;
	s8 =	simm.s32 @!p0 $0x1BF5;
	p2 =	por !p2, p0  }
0x20: {  	[sflag:s8] =	ssyncset.s32 @!p0 $0xFFFFF086;
	s6 =	sadd.s32 @!p0 s3, s7;
	s7 =	simm.s32 @!p0 $0x108  }
0x21: {  	s3 =	sadd.s32 s3, s9;
	s6 =	sadd.s32 @!p0 $0x88, s6;
	s7 =	simm.s32 @p2 $0x1082  }
0x22: {  	[simem:s7], [sflag:s8] =	dma.local @!p0 [hbm:s6], $0xF7A  }
0x23: {  	s9 =	sor.u32 $0xD0000000, s2;
	s6 =	simm.s32 $0x108;
	_ =	swait.ge @!p0 [sflag:s8], $0x0  }
0x24: {  	s3 =	sadd.s32 $0x88, s3;
	s6 =	simm.s32 @!p1 $0x1082;
	[sflag:s4] =	ssyncset.s32 $0xFFFFF086  }
0x25: {  	[simem:s6], [sflag:s4] =	dma.local [hbm:s3], $0xF7A  }
0x26: {  	[smem:$0x3F9E] =	sst s1;
	(tag) =	ssettag s2;
	_ =	strace s9  }
0x27: {  	s1 =	sld [smem:$0x3FAE]  }
0x28: {  	s2 =	sld [smem:$0x3FAF]  }
0x29: {  	s4 =	sld [smem:$0x3FB1]  }
0x2a: {  	p0 =	seq.s32 s5, $0x0;
	s5 =	sld [smem:$0x3FB2]  }
0x2b: {  	s6 =	sld [smem:$0x3FB3]  }
0x2c: {  	s7 =	sld [smem:$0x3FB4]  }
0x2d: {  	s3 =	simm.s32 $0x108;
	s8 =	sld [smem:$0x3FB5]  }
0x2e: {  	s3 =	simm.s32 @!p0 $0x1082;
	s9 =	sld [smem:$0x3FB6]  }
0x2f: {  	lr =	sadd.s32 s0, s3;
	s0 =	sld [smem:$0x3FAD]  }
0x30: {  	s3 =	sld [smem:$0x3FB0]  }
0x31: {  	[smem:$0x3FB9] =	sst s10  }
0x32: {  	s10 =	sld [smem:$0x3FB7];
	_ =	sdelay $0x3  }
0x33: {  	p0 =	seq.s32 s10, $0x1;
	s10 =	sld [smem:$0x3FB9];
	_ =	sdelay $0x3  }
0x34: {  	[smem:$0x3FB9] =	sst s10  }
0x35: {  	s10 =	sld [smem:$0x3FB8];
	_ =	sdelay $0x3  }
0x36: {  	p1 =	seq.s32 s10, $0x1;
	s10 =	sld [smem:$0x3FB9];
	_ =	sdelay $0x3  }
0x37: {  	[smem:$0x3FB9] =	sst s10  }
0x38: {  	s10 =	sld [smem:$0x3FBA]  }
0x39: {  	_ = 	snop;
	(pc) =	sbr.ind lr, $3  }
0x3a: {  	_ = 	snop  }
0x3b: {  	_ = 	snop  }
0x3c: {  	p2 =	seq.s32 s10, $0x1;
	s10 =	sld [smem:$0x3FB9]  }
0x3d: {  	_ =	shalt  }
0x3e: {  	_ =	shalt  }
0x3f: {  	_ =	shalt  }
0x40: {  	_ =	shalt  }
0x41: {  	_ =	shalt  }
0x42: {  	_ =	shalt  }
0x43: {  	_ =	shalt  }
0x44: {  	_ =	shalt  }
0x45: {  	_ =	shalt  }
0x46: {  	_ =	shalt  }
0x47: {  	_ =	shalt  }
0x48: {  	_ =	shalt  }
0x49: {  	_ =	shalt  }
0x4a: {  	_ =	shalt  }
0x4b: {  	_ =	shalt  }
0x4c: {  	_ =	shalt  }
0x4d: {  	_ =	shalt  }
0x4e: {  	_ =	shalt  }
0x4f: {  	_ =	shalt  }
0x50: {  	_ =	shalt  }
0x51: {  	_ =	shalt  }
0x52: {  	_ =	shalt  }
0x53: {  	_ =	shalt  }
0x54: {  	_ =	shalt  }
0x55: {  	_ =	shalt  }
0x56: {  	_ =	shalt  }
0x57: {  	_ =	shalt  }
0x58: {  	_ =	shalt  }
0x59: {  	_ =	shalt  }
0x5a: {  	_ =	shalt  }
0x5b: {  	_ =	shalt  }
0x5c: {  	_ =	shalt  }
0x5d: {  	_ =	shalt  }
0x5e: {  	_ =	shalt  }
0x5f: {  	_ =	shalt  }
0x60: {  	_ =	shalt  }
0x61: {  	_ =	shalt  }
0x62: {  	_ =	shalt  }
0x63: {  	_ =	shalt  }
0x64: {  	_ =	shalt  }
0x65: {  	_ =	shalt  }
0x66: {  	_ =	shalt  }
0x67: {  	_ =	shalt  }
0x68: {  	_ =	shalt  }
0x69: {  	_ =	shalt  }
0x6a: {  	_ =	shalt  }
0x6b: {  	_ =	shalt  }
0x6c: {  	_ =	shalt  }
0x6d: {  	_ =	shalt  }
0x6e: {  	_ =	shalt  }
0x6f: {  	_ =	shalt  }
0x70: {  	_ =	shalt  }
0x71: {  	_ =	shalt  }
0x72: {  	_ =	shalt  }
0x73: {  	_ =	shalt  }
0x74: {  	_ =	shalt  }
0x75: {  	_ =	shalt  }
0x76: {  	_ =	shalt  }
0x77: {  	_ =	shalt  }
0x78: {  	_ =	shalt  }
0x79: {  	_ =	shalt  }
0x7a: {  	_ =	shalt  }
0x7b: {  	_ =	shalt  }
0x7c: {  	_ =	shalt  }
0x7d: {  	_ =	shalt  }
0x7e: {  	_ =	shalt  }
0x7f: {  	_ =	shalt  }
0x80: {  	_ =	shalt  }
0x81: {  	_ =	shalt  }
0x82: {  	_ =	shalt  }
0x83: {  	_ =	shalt  }
0x84: {  	_ =	shalt  }
0x85: {  	_ =	shalt  }
0x86: {  	_ =	shalt  }
0x87: {  	_ =	shalt  }
.Lfunc_end0:
.L_simem_size_0:
called_computation_lowered:
.L_overlay_start_0:
0x88: {  	s2 =	sld [smem:$0x3FD9]  }
0x89: {  	s3 =	sld [smem:$0x3FFE];
	_ =	sdelay $0x1  }
0x8a: {  	s1 =	srdreg.scid  }
0x8b: {  	s0 =	sand.u32 $0x1, s1  }
0x8c: {  	s17 =	sshll.u32 s0, $0xA;
	s2 =	sadd.s32 s3, s2  }
0x8d: {  	s2 =	sadd.s32 s2, s17  }
0x8e: {  	[smem:$0x3FC5] =	sst s2  }
0x8f: {  	_ = 	snop  }
0x90: {  	s2 =	sld [smem:$0x3FC9]  }
0x91: {  	s18 =	sld [smem:$0x3FC7]  }
0x92: {  	s4 =	sld [smem:$0x3FD0];
	(tm) =	ssettm $0x1  }
0x93: {  	s5 =	sld [smem:$0x3FFB];
	_ =	sdelay $0x3  }
0x94: {  	_ =	strace s5  }
0x95: {  	s5 =	sld [smem:$0x3FFC];
	_ =	sdelay $0x3  }
0x96: {  	_ =	strace s5  }
0x97: {  	s5 =	sld [smem:$0x3FFD];
	_ =	sdelay $0x3  }
0x98: {  	_ =	strace s5  }
0x99: {  	_ =	strace $0x8FFFFFFF  }
0x9a: {  	s19 =	sld [smem:$0x3FDB];
	_ =	sdelay $0x1  }
0x9b: {  	s6 =	simm.s32 $_scs_section_size  }
0x9c: {  	s7 =	simm.s32 $_size__tile_overlayer_lowered;
	s8 =	simm.s32 $_tile_overlayer_lowered  }
0x9d: {  	s22 =	simm.s32 $0x1BFF;
	s21 =	sshll.u32 s8, $0x1;
	s5 =	sadd.s32 s6, s19  }
0x9e: {  	s9 =	simm.s32 $0x0;
	s20 =	sshll.u32 s7, $0x1;
	s7 =	sadd.s32 s21, s5  }
0x9f: {  	[timem:s9], [sflag:s22] =	dma.local [hbm:s7], s20  }
0xa0: {  	_ =	swait.ge [sflag:s22], s20  }
0xa1: {  	s6 =	ssub.s32 $0x0, s20;
	[sflag:s22] =	ssyncset.done $0x0  }
0xa2: {  	[sflag:s22] =	ssyncadd.s32 s6;
	_ =	sdelay $0x1  }
0xa3: {  	s23 =	simm.s32 $0x1B8B  }
0xa4: {  	_ =	swait.ge [sflag:s23], $0x1  }
0xa5: {  	[sflag:s23] =	ssyncset.done $0x0  }
0xa6: {  	s25 =	simm.s32 $0x1B8E;
	s24 =	sld [smem:$0x3FFE];
	[sflag:s23] =	ssyncadd.s32 $0xFFFFFFFF  }
0xa7: {  	s26 =	simm.s32 $execute0_lowered;
	[smem:$0x3FD2] =	sst s25  }
0xa8: {  	s7 =	sshll.u32 s26, $0x1;
	_ =	strace $0x80000046;
	[dreg:$0x1] =	wrdreg $0xFFFFFFFF  }
0xa9: {  	s28 =	simm.s32 $_size_execute0_lowered;
	s5 =	sadd.s32 s5, s7;
	[dreg:$0x0] =	wrdreg $0x0  }
0xaa: {  	s7 =	sshll.u32 s28, $0x1;
	[dreg:$0x2] =	wrdreg s5  }
0xab: {  	[dreg:$0x3] =	wrdreg s7  }
0xac: {  	[dreg:$0x4] =	wrdreg $0xC0  }
0xad: {  	_ =	task [dreg:s9], $0x5FFFF  }
0xae: {  	[dreg:$0x1] =	wrdreg $0xFFFFFFFF  }
0xaf: {  	[dreg:$0x0] =	wrdreg $0x60  }
0xb0: {  	[dreg:$0x2] =	wrdreg s2  }
0xb1: {  	[dreg:$0x3] =	wrdreg s24  }
0xb2: {  	[dreg:$0x4] =	wrdreg s18  }
0xb3: {  	[dreg:$0x5] =	wrdreg s4  }
0xb4: {  	[dreg:$0x6] =	wrdreg $0x1A4000  }
0xb5: {  	[dreg:$0x7] =	wrdreg $0x9  }
0xb6: {  	_ =	task.clear_ibuf [dreg:s9], $0x8FFFF;
	_ =	strace $0x90000046  }
0xb7: {  	s29 =	simm.s32 $0x9;
	_ =	strace $0x80000048  }
0xb8: {  	_ =	swait.ge [sflag:s29], $0x1  }
0xb9: {  	[sflag:s29] =	ssyncadd.s32 $0xFFFFFFFF  }
0xba: {  	_ =	strace $0x90000048  }
0xbb: {  	_ =	sfence  }
0xbc: {  	s30 =	sld [smem:$0x0];
	_ =	sdelay $0x2  }
0xbd: {  	s31 =	sshll.u32 s1, $0xD;
	s1 =	sshrl.u32 s1, $0x2  }
0xbe: {  	s3 =	sand.u32 $0x4000, s31;
	s1 =	sadd.s32 s1, s30  }
0xbf: {  	s0 =	sor.u32 s3, s0;
	s1 =	sshll.u32 s1, $0x11  }
0xc0: {  	s0 =	sor.u32 s1, s0  }
0xc1: {  	s0 =	sadd.s32 $0x8F2B, s0  }
0xc2: {  	[sflag:s0] =	ssyncadd.remote.s32 $0x1  }
0xc3: {  	_ =	sfence.sel $0xFFFF  }
0xc4: {  	[dreg:$0x0] =	wrdreg $0xFFFFFFFF;
	(pc) =	sbr.abs _section_cstart, $3  }
0xc5: {  	[dreg:$0x1] =	wrdreg $0xFFFFFFFF  }
0xc6: {  	_ =	task.clear_ibuf [dreg:s9], $0x2FFFF;
	_ =	strace $0x9FFFFFFF  }
0xc7: {  	(tm) =	ssettm $0x7FFFFFFF  }
tec
execute0_lowered:
.L_overlay_start_1:
0x0: {  	(tag) =	ssettag $0x1  }
0x1: {  	s0 =	rddreg [dreg:$0x0]  }
0x2: {  	s1 =	rddreg [dreg:$0x1];
	s2 =	srdreg.scid  }
0x3: {  	s4 =	stileid.u32;
	s5 =	rddreg [dreg:$0x3];
	s18 =	simm.s32 $0x2800  }
0x4: {  	s19 =	simm.s32 $0x5000;
	s11 =	simm.s32 $0xC800;
	s29 =	simm.s32 $0xB  }
0x5: {  	s30 =	simm.s32 $0x5;
	s31 =	simm.s32 $0xC;
	s14 =	simm.s32 $0x7  }
0x6: {  	s12 =	simm.s32 $0x0;
	s28 =	simm.s32 $0x11800;
	s6 =	sand.u32 $0x1, s2  }
0x7: {  	s3 =	sshll.u32 s4, $0x1;
	s2 =	rddreg [dreg:$0x4];
	s22 =	smul.u32 $0xC8000, s4  }
0x8: {  	s7 =	sor.u32 s6, s3;
	s9 =	ssub.s32 $0x2, s6;
	s6 =	smul.u32 $0x64000, s6  }
0x9: {  	p0 =	sne.s32 s4, $0x0;
	s3 =	simm.s32 $0x0;
	s8 =	smul.u32 $0x6400, s7  }
0xa: {  	[smem:$0x7FF] =	sst s3;
	s7 =	smul.u32 $0x64000, s7;
	s10 =	sshrl.u32 s9, $0x1  }
0xb: {  	s5 =	sadd.s32 s22, s5;
	_ =	strace $0x80000047;
	s20 =	ssub.s32 s9, s10  }
0xc: {  	s5 =	sadd.s32 s6, s5;
	s9 =	simm.s32 $0x10;
	s8 =	sshrl.u32 s8, $0x3  }
0xd: {  	s7 =	sadd.s32 s0, s7;
	s26 =	smax.u32 s20, $0x1;
	[dreg:$0xe] =	wrdreg s5  }
0xe: {  	s0 =	sadd.s32 s22, s0;
	s22 =	simm.s32 $0x50;
	s5 =	simm.s32 $0xE  }
0xf: {  	s1 =	sadd.s32 s8, s1;
	s21 =	sadd.s32 $0x500, s7;
	[dreg:$0x6] =	wrdreg s7  }
0x10: {  	s23 =	sadd.s32 $0xA00, s7;
	s24 =	sadd.s32 $0xF00, s7;
	[dreg:$0xd] =	wrdreg s26  }
0x11: {  	s25 =	sadd.s32 $0x1400, s7;
	s7 =	sadd.s32 $0x1900, s7;
	[dreg:$0x8] =	wrdreg s21  }
0x12: {  	s13 =	sadd.s32 s6, s0;
	s0 =	simm.s32 $0xD;
	[dreg:$0x9] =	wrdreg s23  }
.Ltmp0:
0x13: {  	s6 =	simm.s32 $0x8;
	[dreg:$0xa] =	wrdreg s24;
	(pc) =	sbr.rel .LBB2_1-.Ltmp0, $4  }
0x14: {  	s8 =	simm.s32 $0x9;
	s26 =	simm.s32 $0xF000;
	[dreg:$0xb] =	wrdreg s25  }
0x15: {  	s1 =	sadd.s32 $0x400, s1;
	[dreg:$0xc] =	wrdreg s7;
	s21 =	simm.s32 $0x7800  }
0x16: {  	s24 =	simm.s32 $0xA000;
	s23 =	simm.s32 $0xA;
	s7 =	simm.s32 $0xF  }
0x17: {  	s25 =	simm.s32 $0xC800;
	[dreg:$0x7] =	wrdreg s1;
	s1 =	simm.s32 $0x6  }
.LBB2_4:
0x18: {  	s4 =	simm.s32 $0x11  }
0x19: {  	_ =	swait.ge [sflag:s4], $0x2800  }
0x1a: {  	[sflag:s4] =	ssyncset.done $0x0  }
0x1b: {  	s10 =	simm.s32 $0x12;
	[sflag:s4] =	ssyncadd.s32 $0xFFFFD800  }
0x1c: {  	_ =	swait.ge [sflag:s10], $0x2800  }
0x1d: {  	s12 =	rddreg [dreg:$0xf]  }
0x1e: {  	s20 =	rddreg [dreg:$0xd];
	s12 =	sadd.s32 $0x1, s12  }
0x1f: {  	p1 =	sne.s32 s12, s20  }
.Ltmp1:
0x20: {  	_ = 	snop;
	(pc) =	sbr.rel @!p1 .LBB2_5-.Ltmp1, $3  }
0x21: {  	_ =	sdelay $0x1  }
0x22: {  	[sflag:s10] =	ssyncset.done $0x0  }
0x23: {  	s11 =	simm.s32 $0xC800;
	[sflag:s10] =	ssyncadd.s32 $0xFFFFD800  }
.LBB2_1:
0x24: {  	s4 =	rddreg [dreg:$0x7];
	s10 =	simm.s32 $0x14000  }
0x25: {  	[tilespmem:s10], [sflag:$0x1] =	stream.linear.gather [hbm4b:s4+s3], $0x6400, $0x38;
	[tilespmem:$0x1A548] =	vst v63  }
0x26: {  	s4 =	simm.s32 @!p0 $0x0;
	s10 =	rddreg [dreg:$0x2]  }
0x27: {  	[tilespmem:s4], [sflag:$0x13] =	stream.linear.gather @!p0 [hbm4b:s10+s4], $0x1480, $0x38;
	[tilespmem:$0x1A548] =	vst v63  }
0x28: {  	[dreg:$0xf] =	wrdreg s12;
	s10 =	simm.s32 @!p0 $0x13  }
0x29: {  	_ =	swait.ge @!p0 [sflag:s10], $0x1480  }
0x2a: {  	[sflag:s10] =	ssyncset.done @!p0 $0x0  }
0x2b: {  	v0 =	vimm.f32 @!p0 $0.0e+00;
	[sflag:s10] =	ssyncadd.s32 @!p0 $0xFFFFEB80  }
0x2c: {  	[tilespmem:$0x0] =	vst @!p0 v0  }
0x2d: {  	[tilespmem:$0x10] =	vst @!p0 v0  }
0x2e: {  	[tilespmem:$0x20] =	vst @!p0 v0  }
0x2f: {  	[tilespmem:$0x30] =	vst @!p0 v0  }
0x30: {  	[tilespmem:$0x40] =	vst @!p0 v0  }
0x31: {  	[tilespmem:$0x50] =	vst @!p0 v0  }
0x32: {  	[tilespmem:$0x60] =	vst @!p0 v0  }
0x33: {  	[tilespmem:$0x70] =	vst @!p0 v0  }
0x34: {  	[spmem:s2] =	stream.linear.scatter @!p0 [tilespmem:s4], [sflag:$0x13], $0x1480, $0x38;
	[tilespmem:$0x1A548] =	vst v63  }
0x35: {  	_ =	swait.ge @!p0 [sflag:s10], $0x1480  }
0x36: {  	[sflag:s10] =	ssyncset.done @!p0 $0x0  }
0x37: {  	s16 =	rddreg [dreg:$0x6];
	[sflag:s10] =	ssyncadd.s32 @!p0 $0xFFFFEB80  }
0x38: {  	[tilespmem:s3], [sflag:$0x2] =	stream.linear.gather [hbm4b:s16+s3], $0x2800, $0x38;
	[tilespmem:$0x1A548] =	vst v63  }
0x39: {  	s17 =	rddreg [dreg:$0x8]  }
0x3a: {  	[tilespmem:s18], [sflag:$0x3] =	stream.linear.gather [hbm4b:s17+s3], $0x2800, $0x38;
	[tilespmem:$0x1A548] =	vst v63  }
0x3b: {  	s18 =	rddreg [dreg:$0x9]  }
0x3c: {  	[tilespmem:s19], [sflag:$0x4] =	stream.linear.gather [hbm4b:s18+s3], $0x2800, $0x38;
	[tilespmem:$0x1A548] =	vst v63  }
0x3d: {  	s19 =	rddreg [dreg:$0xa]  }
0x3e: {  	[tilespmem:s21], [sflag:$0x5] =	stream.linear.gather [hbm4b:s19+s3], $0x2800, $0x38;
	[tilespmem:$0x1A548] =	vst v63  }
0x3f: {  	s20 =	rddreg [dreg:$0xb]  }
0x40: {  	[tilespmem:s24], [sflag:$0x6] =	stream.linear.gather [hbm4b:s20+s3], $0x2800, $0x38;
	[tilespmem:$0x1A548] =	vst v63  }
0x41: {  	s21 =	rddreg [dreg:$0xc]  }
0x42: {  	[tilespmem:s11], [sflag:$0x7] =	stream.linear.gather [hbm4b:s21+s3], $0x2800, $0x38;
	[tilespmem:$0x1A548] =	vst v63  }
0x43: {  	s24 =	simm.s32 $0x1;
	[bflag:$0x0] =	sbarrier.arrive $0xFFFF  }
0x44: {  	_ =	swait.ge [sflag:s24], $0x6400  }
0x45: {  	[sflag:s24] =	ssyncset.done $0x0  }
0x46: {  	s10 =	simm.s32 $0x0;
	s20 =	simm.s32 $0x14230;
	[sflag:s24] =	ssyncadd.s32 $0xFFFF9C00  }
.LBB2_2:
0x47: {  	s4 =	simm.s32 $0x2  }
0x48: {  	_ =	swait.ge [sflag:s4], $0x2800  }
0x49: {  	[sflag:s4] =	ssyncset.done $0x0  }
0x4a: {  	s12 =	sadd.s32 $0xFFFFFDD0, s20;
	[sflag:s4] =	ssyncadd.s32 $0xFFFFD800  }
0x4b: {  	[tilespmem:s3], [sflag:$0xA] =	stream.indirect.gather.add.f32 [spmem:s2], $0x80, s12, s22, $0xb8;
	[tilespmem:$0x1A548] =	vst v63  }
0x4c: {  	_ =	swait.ge [sflag:s23], $0x2800  }
0x4d: {  	p1 =	seq.s32 s10, $0x0;
	[sflag:s23] =	ssyncset.done $0x0;
	s15 =	rddreg [dreg:$0xe]  }
0x4e: {  	s12 =	simm.s32 @!p1 $0x11;
	[sflag:s23] =	ssyncadd.s32 $0xFFFFD800;
	s4 =	sadd.s32 s10, s15  }
0x4f: {  	[hbm4b:s4+s3] =	stream.linear.scatter [tilespmem:s3], [sflag:$0xB], $0x2800, $0x38;
	[tilespmem:$0x1A548] =	vst v63  }
0x50: {  	_ =	swait.ge @!p1 [sflag:s12], $0x2800  }
0x51: {  	s11 =	sadd.s32 s10, s13;
	[sflag:s12] =	ssyncset.done @!p1 $0x0  }
0x52: {  	s17 =	simm.s32 $0x3;
	s16 =	sadd.s32 $0x1E00, s11;
	[sflag:s12] =	ssyncadd.s32 @!p1 $0xFFFFD800  }
0x53: {  	[tilespmem:s26], [sflag:$0x8] =	stream.linear.gather [hbm4b:s16+s3], $0x2800, $0x38;
	[tilespmem:$0x1A548] =	vst v63  }
0x54: {  	_ =	swait.ge [sflag:s17], $0x2800  }
0x55: {  	[sflag:s17] =	ssyncset.done $0x0  }
0x56: {  	s18 =	sadd.s32 $0xFFFFFE20, s20;
	s15 =	simm.s32 $0x2800;
	[sflag:s17] =	ssyncadd.s32 $0xFFFFD800  }
0x57: {  	[tilespmem:s15], [sflag:$0xA] =	stream.indirect.gather.add.f32 [spmem:s2], $0x80, s18, s22, $0xb8;
	[tilespmem:$0x1A548] =	vst v63  }
0x58: {  	_ =	swait.ge [sflag:s23], $0x2800  }
0x59: {  	[sflag:s23] =	ssyncset.done $0x0  }
0x5a: {  	s19 =	sadd.s32 $0x500, s4;
	s12 =	simm.s32 @!p1 $0x12;
	[sflag:s23] =	ssyncadd.s32 $0xFFFFD800  }
0x5b: {  	[hbm4b:s19+s3] =	stream.linear.scatter [tilespmem:s15], [sflag:$0xC], $0x2800, $0x38;
	[tilespmem:$0x1A548] =	vst v63  }
0x5c: {  	_ =	swait.ge @!p1 [sflag:s12], $0x2800  }
0x5d: {  	[sflag:s12] =	ssyncset.done @!p1 $0x0  }
0x5e: {  	s24 =	simm.s32 $0x4;
	s21 =	sadd.s32 $0x2300, s11;
	[sflag:s12] =	ssyncadd.s32 @!p1 $0xFFFFD800  }
0x5f: {  	[tilespmem:s28], [sflag:$0x9] =	stream.linear.gather [hbm4b:s21+s3], $0x2800, $0x38;
	[tilespmem:$0x1A548] =	vst v63  }
0x60: {  	_ =	swait.ge [sflag:s24], $0x2800  }
0x61: {  	[sflag:s24] =	ssyncset.done $0x0  }
0x62: {  	s16 =	simm.s32 $0x5000;
	s15 =	sadd.s32 $0xFFFFFE70, s20;
	[sflag:s24] =	ssyncadd.s32 $0xFFFFD800  }
0x63: {  	[tilespmem:s16], [sflag:$0xA] =	stream.indirect.gather.add.f32 [spmem:s2], $0x80, s15, s22, $0xb8;
	[tilespmem:$0x1A548] =	vst v63  }
0x64: {  	_ =	swait.ge [sflag:s23], $0x2800  }
0x65: {  	[sflag:s23] =	ssyncset.done $0x0  }
0x66: {  	s17 =	sadd.s32 $0xA00, s4;
	[sflag:s23] =	ssyncadd.s32 $0xFFFFD800  }
0x67: {  	[hbm4b:s17+s3] =	stream.linear.scatter [tilespmem:s16], [sflag:$0xD], $0x2800, $0x38;
	[tilespmem:$0x1A548] =	vst v63  }
0x68: {  	p1 =	seq.s32 s10, $0x61800;
	_ =	swait.ge [sflag:s29], $0x2800  }
0x69: {  	s12 =	sadd.s32 @!p1 s10, s13;
	[sflag:s29] =	ssyncset.done $0x0  }
0x6a: {  	s15 =	simm.s32 @!p1 $0x0;
	s16 =	sadd.s32 @!p1 $0x2800, s12;
	[sflag:s29] =	ssyncadd.s32 $0xFFFFD800  }
0x6b: {  	[tilespmem:s15], [sflag:$0x2] =	stream.linear.gather @!p1 [hbm4b:s16+s15], $0x2800, $0x38;
	[tilespmem:$0x1A548] =	vst v63  }
0x6c: {  	_ =	swait.ge [sflag:s30], $0x2800  }
0x6d: {  	[sflag:s30] =	ssyncset.done $0x0  }
0x6e: {  	s21 =	sadd.s32 $0xFFFFFEC0, s20;
	s17 =	simm.s32 $0x7800;
	[sflag:s30] =	ssyncadd.s32 $0xFFFFD800  }
0x6f: {  	[tilespmem:s17], [sflag:$0xA] =	stream.indirect.gather.add.f32 [spmem:s2], $0x80, s21, s22, $0xb8;
	[tilespmem:$0x1A548] =	vst v63  }
0x70: {  	_ =	swait.ge [sflag:s23], $0x2800  }
0x71: {  	[sflag:s23] =	ssyncset.done $0x0  }
0x72: {  	s24 =	sadd.s32 $0xF00, s4;
	[sflag:s23] =	ssyncadd.s32 $0xFFFFD800  }
0x73: {  	[hbm4b:s24+s3] =	stream.linear.scatter [tilespmem:s17], [sflag:$0xE], $0x2800, $0x38;
	[tilespmem:$0x1A548] =	vst v63  }
0x74: {  	_ =	swait.ge [sflag:s31], $0x2800  }
0x75: {  	[sflag:s31] =	ssyncset.done $0x0  }
0x76: {  	s16 =	sadd.s32 @!p1 $0x2D00, s12;
	s17 =	simm.s32 @!p1 $0x2800;
	[sflag:s31] =	ssyncadd.s32 $0xFFFFD800  }
0x77: {  	[tilespmem:s17], [sflag:$0x3] =	stream.linear.gather @!p1 [hbm4b:s16+s15], $0x2800, $0x38;
	[tilespmem:$0x1A548] =	vst v63  }
0x78: {  	_ =	swait.ge [sflag:s1], $0x2800  }
0x79: {  	[sflag:s1] =	ssyncset.done $0x0  }
0x7a: {  	s24 =	sadd.s32 $0xFFFFFF10, s20;
	s17 =	simm.s32 $0xA000;
	[sflag:s1] =	ssyncadd.s32 $0xFFFFD800  }
0x7b: {  	[tilespmem:s17], [sflag:$0xA] =	stream.indirect.gather.add.f32 [spmem:s2], $0x80, s24, s22, $0xb8;
	[tilespmem:$0x1A548] =	vst v63  }
0x7c: {  	_ =	swait.ge [sflag:s23], $0x2800  }
0x7d: {  	[sflag:s23] =	ssyncset.done $0x0  }
0x7e: {  	s16 =	sadd.s32 $0x1400, s4;
	[sflag:s23] =	ssyncadd.s32 $0xFFFFD800  }
0x7f: {  	[hbm4b:s16+s3] =	stream.linear.scatter [tilespmem:s17], [sflag:$0xF], $0x2800, $0x38;
	[tilespmem:$0x1A548] =	vst v63  }
0x80: {  	_ =	swait.ge [sflag:s0], $0x2800  }
0x81: {  	[sflag:s0] =	ssyncset.done $0x0  }
0x82: {  	s16 =	sadd.s32 @!p1 $0x3200, s12;
	s17 =	simm.s32 @!p1 $0x5000;
	[sflag:s0] =	ssyncadd.s32 $0xFFFFD800  }
0x83: {  	[tilespmem:s17], [sflag:$0x4] =	stream.linear.gather @!p1 [hbm4b:s16+s15], $0x2800, $0x38;
	[tilespmem:$0x1A548] =	vst v63  }
0x84: {  	_ =	swait.ge [sflag:s14], $0x2800  }
0x85: {  	[sflag:s14] =	ssyncset.done $0x0  }
0x86: {  	s17 =	sadd.s32 $0xFFFFFF60, s20;
	[sflag:s14] =	ssyncadd.s32 $0xFFFFD800  }
0x87: {  	[tilespmem:s25], [sflag:$0xA] =	stream.indirect.gather.add.f32 [spmem:s2], $0x80, s17, s22, $0xb8;
	[tilespmem:$0x1A548] =	vst v63  }
0x88: {  	_ =	swait.ge [sflag:s23], $0x2800  }
0x89: {  	[sflag:s23] =	ssyncset.done $0x0  }
0x8a: {  	s17 =	sadd.s32 $0x1900, s4;
	[sflag:s23] =	ssyncadd.s32 $0xFFFFD800  }
0x8b: {  	[hbm4b:s17+s3] =	stream.linear.scatter [tilespmem:s25], [sflag:$0x10], $0x2800, $0x38;
	[tilespmem:$0x1A548] =	vst v63  }
0x8c: {  	_ =	swait.ge [sflag:s5], $0x2800  }
0x8d: {  	[sflag:s5] =	ssyncset.done $0x0  }
0x8e: {  	s16 =	sadd.s32 @!p1 $0x3700, s12;
	s17 =	simm.s32 @!p1 $0x7800;
	[sflag:s5] =	ssyncadd.s32 $0xFFFFD800  }
0x8f: {  	[tilespmem:s17], [sflag:$0x5] =	stream.linear.gather @!p1 [hbm4b:s16+s15], $0x2800, $0x38;
	[tilespmem:$0x1A548] =	vst v63  }
0x90: {  	_ =	swait.ge [sflag:s6], $0x2800  }
0x91: {  	[sflag:s6] =	ssyncset.done $0x0  }
0x92: {  	s17 =	sadd.s32 $0xFFFFFFB0, s20;
	[sflag:s6] =	ssyncadd.s32 $0xFFFFD800  }
0x93: {  	[tilespmem:s26], [sflag:$0xA] =	stream.indirect.gather.add.f32 [spmem:s2], $0x80, s17, s22, $0xb8;
	[tilespmem:$0x1A548] =	vst v63  }
0x94: {  	_ =	swait.ge [sflag:s23], $0x2800  }
0x95: {  	[sflag:s23] =	ssyncset.done $0x0  }
0x96: {  	s17 =	sadd.s32 $0x1E00, s4;
	[sflag:s23] =	ssyncadd.s32 $0xFFFFD800  }
0x97: {  	[hbm4b:s17+s3] =	stream.linear.scatter [tilespmem:s26], [sflag:$0x11], $0x2800, $0x38;
	[tilespmem:$0x1A548] =	vst v63  }
0x98: {  	_ =	swait.ge [sflag:s7], $0x2800  }
0x99: {  	[sflag:s7] =	ssyncset.done $0x0  }
0x9a: {  	s12 =	sadd.s32 @!p1 $0x3C00, s12;
	s16 =	simm.s32 @!p1 $0xA000;
	[sflag:s7] =	ssyncadd.s32 $0xFFFFD800  }
0x9b: {  	[tilespmem:s16], [sflag:$0x6] =	stream.linear.gather @!p1 [hbm4b:s12+s15], $0x2800, $0x38;
	[tilespmem:$0x1A548] =	vst v63  }
0x9c: {  	_ =	swait.ge [sflag:s8], $0x2800  }
0x9d: {  	[sflag:s8] =	ssyncset.done $0x0  }
0x9e: {  	[sflag:s8] =	ssyncadd.s32 $0xFFFFD800  }
0x9f: {  	[tilespmem:s28], [sflag:$0xA] =	stream.indirect.gather.add.f32 [spmem:s2], $0x80, s20, s22, $0xb8;
	[tilespmem:$0x1A548] =	vst v63  }
0xa0: {  	_ =	swait.ge [sflag:s23], $0x2800  }
0xa1: {  	[sflag:s23] =	ssyncset.done $0x0  }
.Ltmp2:
0xa2: {  	s4 =	sadd.s32 $0x2300, s4;
	[sflag:s23] =	ssyncadd.s32 $0xFFFFD800;
	(pc) =	sbr.rel @p1 .LBB2_4-.Ltmp2, $4  }
0xa3: {  	[hbm4b:s4+s3] =	stream.linear.scatter [tilespmem:s28], [sflag:$0x12], $0x2800, $0x38;
	[tilespmem:$0x1A548] =	vst v63  }
0xa4: {  	_ =	swait.ge [sflag:s9], $0x2800  }
0xa5: {  	s18 =	simm.s32 $0x2800;
	s19 =	simm.s32 $0x5000;
	[sflag:s9] =	ssyncset.done $0x0  }
0xa6: {  	s21 =	simm.s32 $0x7800;
	s24 =	simm.s32 $0xA000;
	[sflag:s9] =	ssyncadd.s32 $0xFFFFD800  }
.Ltmp3:
0xa7: {  	(pc) =	sbr.rel .LBB2_2-.Ltmp3, $3  }
0xa8: {  	_ =	sdelay $0x1  }
0xa9: {  	s4 =	sadd.s32 $0x4100, s11;
	s10 =	sadd.s32 $0x2800, s10;
	s20 =	sadd.s32 $0x280, s20  }
0xaa: {  	[tilespmem:s25], [sflag:$0x7] =	stream.linear.gather [hbm4b:s4+s3], $0x2800, $0x38;
	[tilespmem:$0x1A548] =	vst v63  }
.LBB2_5:
0xab: {  	_ =	sfence.sel $0x180000  }
0xac: {  	[bflag:$0x0] =	sbarrier.arrive $0xFFFF  }
0xad: {  	_ =	strace $0x90000047  }
0xae: {  	[bflag:$0x2] =	sbarrier.arrive $0xFFFF  }
0xaf: {  	s0 =	rddreg [dreg:$0x5]  }
0xb0: {  	s0 =	sadd.s32 @!p0 $0x100000, s0  }
0xb1: {  	[sflag:s0] =	ssyncadd.tile.s32 @!p0 $0x1;
	_ =	shalt  }
.Lfunc_end2:
_tile_overlayer_lowered:
.L_overlay_start_2:
0xb2: {  	(tag) =	ssettag $0x2  }
0xb3: {  	s0 =	rddreg [dreg:$0x0];
	s2 =	stileid.u32  }
0xb4: {  	s1 =	rddreg [dreg:$0x1];
	p0 =	sne.s32 s2, $0x0  }
0xb5: {  	s3 =	rddreg [dreg:$0x2];
	[bflag:$0x3] =	sbarrier.arrive $0xFFFF;
	s2 =	simm.s32 @!p0 $0x1C13  }
0xb6: {  	[timem:s3], [sflag:s2] =	dma.local @!p0 [hbm:s0], s1  }
0xb7: {  	s0 =	simm.s32 @!p0 $0x13  }
0xb8: {  	_ =	swait.ge @!p0 [sflag:s0], s1  }
0xb9: {  	s1 =	ssub.s32 @!p0 $0x0, s1;
	[sflag:s0] =	ssyncset.done @!p0 $0x0  }
0xba: {  	[sflag:s0] =	ssyncadd.s32 @!p0 s1  }
0xbb: {  	[bflag:$0x3] =	sbarrier.arrive $0xFFFF  }
0xbc: {  	_ =	shalt  }

</sc_bundles>
